<compile_context>
chip_gen: v7x
topology: tpu7x:2x2x1
jax: 0.10.2.dev20260603
libtpu: 0.0.44.dev20260713+nightly
codegen_flags: <defaults>
</compile_context>

<pallas_src>
import functools

import jax
import jax.numpy as jnp
from jax import lax
from jax.experimental import pallas as pl
from jax.experimental.pallas import tpu as pltpu
from jax.experimental.pallas import tpu_sc as plsc

N = 6_400_000
NSEG = 100_000
NC = 2
NS = 16
LANES = 16
NW = NC * NS

ELEMS_PER_W = N // NW
BLK = 2_000
NBLK = ELEMS_PER_W // BLK
SEG_PER_TILE = 6272
NSEG_PAD = NS * SEG_PER_TILE
SENTINEL = NSEG_PAD - 1
FIN_COLS = NSEG_PAD // 2


_GATHER_DNUMS = lax.GatherDimensionNumbers(
    offset_dims=(), collapsed_slice_dims=(0,), start_index_map=(0,))


def _gather16(v, idx):
    return lax.gather(v, idx[:, None], _GATHER_DNUMS, (1,),
                      mode=lax.GatherScatterMode.PROMISE_IN_BOUNDS)


def _sc_segment_sums(preds, target, seg_ids):
    mesh = plsc.VectorSubcoreMesh(core_axis_name="c", subcore_axis_name="s")

    @functools.partial(
        pl.kernel,
        out_type=jax.ShapeDtypeStruct((NW, NSEG_PAD), jnp.float32),
        mesh=mesh,
        compiler_params=pltpu.CompilerParams(needs_layout_passes=False),
        scratch_types=(
            [pltpu.VMEM((BLK,), jnp.float32)] * 4
            + [pltpu.VMEM((BLK,), jnp.float32)] * 4
            + [pltpu.VMEM((BLK + 2 * LANES,), jnp.int32)] * 4
            + [
                pltpu.VMEM((NSEG_PAD,), jnp.float32),
                pltpu.SemaphoreType.DMA,
            ]
        ),
    )
    def seg_kernel(p_hbm, t_hbm, m_hbm, out_hbm,
                   pb0, pb1, pb2, pb3, tb0, tb1, tb2, tb3,
                   ib0, ib1, ib2, ib3, acc, sem_in):
        pbufs = (pb0, pb1, pb2, pb3)
        tbufs = (tb0, tb1, tb2, tb3)
        ibufs = (ib0, ib1, ib2, ib3)
        cid = lax.axis_index("c")
        sid = lax.axis_index("s")
        wid = cid * NS + sid
        elem0 = wid * ELEMS_PER_W

        zvec = jnp.zeros((LANES,), jnp.float32)

        @plsc.parallel_loop(0, NSEG_PAD, LANES, unroll=4)
        def _zero(e):
            acc[pl.ds(e, LANES)] = zvec
        sent = jnp.full((LANES,), SENTINEL, jnp.int32)
        for _ib in ibufs:
            _ib[pl.ds(0, LANES)] = sent
            _ib[pl.ds(LANES + BLK, LANES)] = sent

        def fire_in(b, s):
            e = elem0 + b * BLK
            pltpu.async_copy(p_hbm.at[pl.ds(e, BLK)], pbufs[s], sem_in)
            pltpu.async_copy(t_hbm.at[pl.ds(e, BLK)], tbufs[s], sem_in)
            pltpu.async_copy(m_hbm.at[pl.ds(e, BLK)],
                             ibufs[s].at[pl.ds(LANES, BLK)], sem_in)

        def wait_in(s):
            pltpu.make_async_copy(p_hbm.at[pl.ds(0, BLK)], pbufs[s], sem_in).wait()
            pltpu.make_async_copy(t_hbm.at[pl.ds(0, BLK)], tbufs[s], sem_in).wait()
            pltpu.make_async_copy(m_hbm.at[pl.ds(0, BLK)],
                                  ibufs[s].at[pl.ds(LANES, BLK)], sem_in).wait()

        lane15 = lax.iota(jnp.int32, LANES) == (LANES - 1)
        lane_iota = lax.iota(jnp.int32, LANES)
        ks_idx = [jnp.maximum(lane_iota - (1 << k), 0) for k in range(4)]
        ks_msk = [lane_iota >= (1 << k) for k in range(4)]

        def compute(s):
            pbuf, tbuf, ibuf = pbufs[s], tbufs[s], ibufs[s]

            @plsc.parallel_loop(0, BLK, LANES, unroll=2)
            def body(e):
                sl = pl.ds(e, LANES)
                d = pbuf[sl] - tbuf[sl]
                sq = d * d
                m = ibuf[pl.ds(LANES + e, LANES)]
                mn = ibuf[pl.ds(LANES + e + 1, LANES)]
                mp = ibuf[pl.ds(LANES + e - 1, LANES)]
                p = jnp.cumsum(sq)
                p_excl = p - sq
                is_end = (m != mn) | lane15
                is_start = m != mp
                zero = jnp.zeros((LANES,), jnp.float32)
                v = (jnp.where(is_end, p, zero)
                     - jnp.where(is_start, p_excl, zero))
                plsc.addupdate_scatter(acc, [m], v, mask=is_end | is_start)

        fire_in(0, 0)
        fire_in(1, 1)
        fire_in(2, 2)

        def group(g, carry):
            for j in range(4):
                wait_in(j)
                compute(j)

                @pl.when(4 * g + j + 3 < NBLK)
                def _prefetch(g=g, j=j):
                    fire_in(4 * g + j + 3, (j + 3) % 4)
            return carry

        lax.fori_loop(0, NBLK // 4, group, 0)

        pltpu.sync_copy(acc, out_hbm.at[wid])

    return seg_kernel(preds, target, seg_ids)


def _finalize_kernel(x_ref, o_ref):
    @pl.when(pl.program_id(0) == 0)
    def _init():
        o_ref[...] = jnp.zeros((1, 1), jnp.float32)

    x = x_ref[...]
    col0 = pl.program_id(0) * FIN_COLS
    col = col0 + jax.lax.broadcasted_iota(jnp.int32, (1, FIN_COLS), 1)
    total = jnp.sum(x, axis=0, keepdims=True)
    val = jnp.where(col < NSEG, jnp.sqrt(total), 0.0)
    o_ref[...] += jnp.reshape(jnp.sum(val) * (1.0 / NSEG), (1, 1))


def _finalize(partials):
    out = pl.pallas_call(
        _finalize_kernel,
        grid=(NSEG_PAD // FIN_COLS,),
        in_specs=[pl.BlockSpec((NW, FIN_COLS), lambda i: (0, i))],
        out_specs=pl.BlockSpec((1, 1), lambda i: (0, 0)),
        out_shape=jax.ShapeDtypeStruct((1, 1), jnp.float32),
    )(partials)
    return out[0, 0]


def kernel(preds, target, batch_map):
    seg_ids = batch_map.astype(jnp.int32)
    partials = _sc_segment_sums(preds, target, seg_ids)
    return _finalize(partials)

# --- scband reference (transcript-rebuilt; emitter-appended) ---
"""Pipeline reference for scband-l2-distance-loss-35708358099385 (READ-ONLY COPY).

The authoritative reference and input builder live on the scoring server;
editing this copy changes nothing except your own understanding.
"""

import jax, jax.numpy as jnp
import numpy as np

N = 6400000
NUM_SEGMENTS = 100000


def setup_inputs(seed: int = 0) -> dict:
    key = jax.random.key(seed)
    k1, k2, k3 = jax.random.split(key, 3)
    preds = jax.random.normal(k1, (N,), dtype=jnp.float32)
    target = jax.random.normal(k2, (N,), dtype=jnp.float32)
    batch_map = jnp.sort(jax.random.randint(k3, (N,), 0, NUM_SEGMENTS)).astype(jnp.int64)
    return {"preds": preds, "target": target, "batch_map": batch_map}


def reference(preds, target, batch_map):
    # squared_difference = torch.square(preds - target)
    squared_difference = jnp.square(preds - target)
    # l2_distance = scatter_sum(squared_difference, batch_map).sqrt_()
    l2_distance = jnp.sqrt(
        jax.ops.segment_sum(squared_difference, batch_map, num_segments=NUM_SEGMENTS)
    )
    # return l2_distance.mean()
    return jnp.mean(l2_distance)

if __name__ == "__main__":
    import jax
    _d = setup_inputs()
    print(jax.jit(kernel)(*tuple(_d.values())))

</pallas_src>

<mosaic_0001>
#map = affine_map<(d0, d1) -> (0)>
#map1 = affine_map<(d0, d1) -> (0, 0)>
module attributes {stable_mosaic.version = 14 : i64} {
  func.func @seg_kernel(%arg0: i32, %arg1: i32, %arg2: memref<6400000xf32, #tpu.memory_space<hbm>>, %arg3: memref<6400000xf32, #tpu.memory_space<hbm>>, %arg4: memref<6400000xi32, #tpu.memory_space<hbm>>, %arg5: memref<32x100352xf32, #tpu.memory_space<hbm>>, %arg6: memref<2000xf32, #tpu.memory_space<vmem>>, %arg7: memref<2000xf32, #tpu.memory_space<vmem>>, %arg8: memref<2000xf32, #tpu.memory_space<vmem>>, %arg9: memref<2000xf32, #tpu.memory_space<vmem>>, %arg10: memref<2000xf32, #tpu.memory_space<vmem>>, %arg11: memref<2000xf32, #tpu.memory_space<vmem>>, %arg12: memref<2000xf32, #tpu.memory_space<vmem>>, %arg13: memref<2000xf32, #tpu.memory_space<vmem>>, %arg14: memref<2032xi32, #tpu.memory_space<vmem>>, %arg15: memref<2032xi32, #tpu.memory_space<vmem>>, %arg16: memref<2032xi32, #tpu.memory_space<vmem>>, %arg17: memref<2032xi32, #tpu.memory_space<vmem>>, %arg18: memref<100352xf32, #tpu.memory_space<vmem>>, %arg19: memref<!tpu.dma_semaphore, #tpu.memory_space<semaphore_mem>>) attributes {dimension_semantics = [#tpu.dimension_semantics<core_parallel>, #tpu.dimension_semantics<subcore_parallel>], iteration_bounds = array<i64: 2, 16>, scalar_prefetch = 0 : i64, scratch_operands = 14 : i64, tpu.core_type = #tpu.core_type<sc_vector_subcore>, window_params = [{transform_indices = #map}, {transform_indices = #map}, {transform_indices = #map}, {transform_indices = #map1}]} {
    %mul3A = arith.constant 16 : i32
    %mul3A_0 = arith.muli %arg0, %mul3A : i32
    %add3A = arith.addi %mul3A_0, %arg1 : i32
    %mul3A_1 = arith.constant 200000 : i32
    %mul3A_2 = arith.muli %add3A, %mul3A_1 : i32
    %broadcast_in_dim3A = arith.constant 0.000000e+00 : f32
    %broadcast_in_dim3A_3 = vector.broadcast %broadcast_in_dim3A : f32 to vector<16xf32>
    %parallel_loop3A = arith.constant 0 : i32
    %parallel_loop3A_4 = arith.constant 100352 : i32
    %parallel_loop3A_5 = arith.constant 16 : i32
    scf.for %parallel_loop3A_99 = %parallel_loop3A to %parallel_loop3A_4 step %parallel_loop3A_5  : i32 {
      %parallel_loop3A_100 = arith.index_cast %parallel_loop3A_99 : i32 to index
      %parallel_loop3A_101 = tpu.vector_load %arg18[%parallel_loop3A_100] {strides = array<i32>} : memref<100352xf32, #tpu.memory_space<vmem>>, vector<16xf32>,
      tpu.vector_store %arg18[%parallel_loop3A_100], %broadcast_in_dim3A_3 {strides = array<i32>} : memref<100352xf32, #tpu.memory_space<vmem>>, vector<16xf32>,
    } {sc.loop_unroll_factor = 4 : i64, sc.parallel_access}
    %broadcast_in_dim3A_6 = arith.constant 100351 : i32
    %broadcast_in_dim3A_7 = vector.broadcast %broadcast_in_dim3A_6 : i32 to vector<16xi32>
    %swap3A = arith.constant 0 : index
    %swap3A_8 = tpu.vector_load %arg14[%swap3A] {strides = array<i32>} : memref<2032xi32, #tpu.memory_space<vmem>>, vector<16xi32>,
    tpu.vector_store %arg14[%swap3A], %broadcast_in_dim3A_7 {strides = array<i32>} : memref<2032xi32, #tpu.memory_space<vmem>>, vector<16xi32>,
    %swap3A_9 = arith.constant 2016 : index
    %swap3A_10 = tpu.vector_load %arg14[%swap3A_9] {strides = array<i32>} : memref<2032xi32, #tpu.memory_space<vmem>>, vector<16xi32>,
    tpu.vector_store %arg14[%swap3A_9], %broadcast_in_dim3A_7 {strides = array<i32>} : memref<2032xi32, #tpu.memory_space<vmem>>, vector<16xi32>,
    %swap3A_11 = arith.constant 0 : index
    %swap3A_12 = tpu.vector_load %arg15[%swap3A_11] {strides = array<i32>} : memref<2032xi32, #tpu.memory_space<vmem>>, vector<16xi32>,
    tpu.vector_store %arg15[%swap3A_11], %broadcast_in_dim3A_7 {strides = array<i32>} : memref<2032xi32, #tpu.memory_space<vmem>>, vector<16xi32>,
    %swap3A_13 = arith.constant 2016 : index
    %swap3A_14 = tpu.vector_load %arg15[%swap3A_13] {strides = array<i32>} : memref<2032xi32, #tpu.memory_space<vmem>>, vector<16xi32>,
    tpu.vector_store %arg15[%swap3A_13], %broadcast_in_dim3A_7 {strides = array<i32>} : memref<2032xi32, #tpu.memory_space<vmem>>, vector<16xi32>,
    %swap3A_15 = arith.constant 0 : index
    %swap3A_16 = tpu.vector_load %arg16[%swap3A_15] {strides = array<i32>} : memref<2032xi32, #tpu.memory_space<vmem>>, vector<16xi32>,
    tpu.vector_store %arg16[%swap3A_15], %broadcast_in_dim3A_7 {strides = array<i32>} : memref<2032xi32, #tpu.memory_space<vmem>>, vector<16xi32>,
    %swap3A_17 = arith.constant 2016 : index
    %swap3A_18 = tpu.vector_load %arg16[%swap3A_17] {strides = array<i32>} : memref<2032xi32, #tpu.memory_space<vmem>>, vector<16xi32>,
    tpu.vector_store %arg16[%swap3A_17], %broadcast_in_dim3A_7 {strides = array<i32>} : memref<2032xi32, #tpu.memory_space<vmem>>, vector<16xi32>,
    %swap3A_19 = arith.constant 0 : index
    %swap3A_20 = tpu.vector_load %arg17[%swap3A_19] {strides = array<i32>} : memref<2032xi32, #tpu.memory_space<vmem>>, vector<16xi32>,
    tpu.vector_store %arg17[%swap3A_19], %broadcast_in_dim3A_7 {strides = array<i32>} : memref<2032xi32, #tpu.memory_space<vmem>>, vector<16xi32>,
    %swap3A_21 = arith.constant 2016 : index
    %swap3A_22 = tpu.vector_load %arg17[%swap3A_21] {strides = array<i32>} : memref<2032xi32, #tpu.memory_space<vmem>>, vector<16xi32>,
    tpu.vector_store %arg17[%swap3A_21], %broadcast_in_dim3A_7 {strides = array<i32>} : memref<2032xi32, #tpu.memory_space<vmem>>, vector<16xi32>,
    %iota3A = tpu.iota {dimensions = array<i32: 0>} : vector<16xi32>
    %eq3A = arith.constant 15 : i32
    %eq3A_23 = vector.broadcast %eq3A : i32 to vector<16xi32>
    %eq3A_24 = arith.cmpi eq, %iota3A, %eq3A_23 : vector<16xi32>
    %iota3A_25 = tpu.iota {dimensions = array<i32: 0>} : vector<16xi32>
    %sub3A = arith.constant 1 : i32
    %sub3A_26 = vector.broadcast %sub3A : i32 to vector<16xi32>
    %sub3A_27 = arith.subi %iota3A_25, %sub3A_26 : vector<16xi32>
    %max3A = arith.constant 0 : i32
    %max3A_28 = vector.broadcast %max3A : i32 to vector<16xi32>
    %max3A_29 = arith.maxsi %sub3A_27, %max3A_28 : vector<16xi32>
    %sub3A_30 = arith.constant 2 : i32
    %sub3A_31 = vector.broadcast %sub3A_30 : i32 to vector<16xi32>
    %sub3A_32 = arith.subi %iota3A_25, %sub3A_31 : vector<16xi32>
    %max3A_33 = arith.constant 0 : i32
    %max3A_34 = vector.broadcast %max3A_33 : i32 to vector<16xi32>
    %max3A_35 = arith.maxsi %sub3A_32, %max3A_34 : vector<16xi32>
    %sub3A_36 = arith.constant 4 : i32
    %sub3A_37 = vector.broadcast %sub3A_36 : i32 to vector<16xi32>
    %sub3A_38 = arith.subi %iota3A_25, %sub3A_37 : vector<16xi32>
    %max3A_39 = arith.constant 0 : i32
    %max3A_40 = vector.broadcast %max3A_39 : i32 to vector<16xi32>
    %max3A_41 = arith.maxsi %sub3A_38, %max3A_40 : vector<16xi32>
    %sub3A_42 = arith.constant 8 : i32
    %sub3A_43 = vector.broadcast %sub3A_42 : i32 to vector<16xi32>
    %sub3A_44 = arith.subi %iota3A_25, %sub3A_43 : vector<16xi32>
    %max3A_45 = arith.constant 0 : i32
    %max3A_46 = vector.broadcast %max3A_45 : i32 to vector<16xi32>
    %max3A_47 = arith.maxsi %sub3A_44, %max3A_46 : vector<16xi32>
    %ge3A = arith.constant 1 : i32
    %ge3A_48 = vector.broadcast %ge3A : i32 to vector<16xi32>
    %ge3A_49 = arith.cmpi sge, %iota3A_25, %ge3A_48 : vector<16xi32>
    %ge3A_50 = arith.constant 2 : i32
    %ge3A_51 = vector.broadcast %ge3A_50 : i32 to vector<16xi32>
    %ge3A_52 = arith.cmpi sge, %iota3A_25, %ge3A_51 : vector<16xi32>
    %ge3A_53 = arith.constant 4 : i32
    %ge3A_54 = vector.broadcast %ge3A_53 : i32 to vector<16xi32>
    %ge3A_55 = arith.cmpi sge, %iota3A_25, %ge3A_54 : vector<16xi32>
    %ge3A_56 = arith.constant 8 : i32
    %ge3A_57 = vector.broadcast %ge3A_56 : i32 to vector<16xi32>
    %ge3A_58 = arith.cmpi sge, %iota3A_25, %ge3A_57 : vector<16xi32>
    %add3A_59 = arith.constant 0 : i32
    %add3A_60 = arith.addi %mul3A_2, %add3A_59 : i32
    %dma_start3A = tpu.memref_slice %arg2[%add3A_60] : memref<6400000xf32, #tpu.memory_space<hbm>> -> memref<2000xf32, #tpu.memory_space<hbm>>
    %dma_start3A_61 = tpu.memref_slice %arg2[%add3A_60] : memref<6400000xf32, #tpu.memory_space<hbm>> -> memref<2000xf32, #tpu.memory_space<hbm>>
    tpu.enqueue_dma source(%dma_start3A_61 : memref<2000xf32, #tpu.memory_space<hbm>>) target(%arg6 : memref<2000xf32, #tpu.memory_space<vmem>>) target_semaphore(%arg19 : memref<!tpu.dma_semaphore, #tpu.memory_space<semaphore_mem>>)
    %dma_start3A_62 = tpu.memref_slice %arg3[%add3A_60] : memref<6400000xf32, #tpu.memory_space<hbm>> -> memref<2000xf32, #tpu.memory_space<hbm>>
    %dma_start3A_63 = tpu.memref_slice %arg3[%add3A_60] : memref<6400000xf32, #tpu.memory_space<hbm>> -> memref<2000xf32, #tpu.memory_space<hbm>>
    tpu.enqueue_dma source(%dma_start3A_63 : memref<2000xf32, #tpu.memory_space<hbm>>) target(%arg10 : memref<2000xf32, #tpu.memory_space<vmem>>) target_semaphore(%arg19 : memref<!tpu.dma_semaphore, #tpu.memory_space<semaphore_mem>>)
    %dma_start3A_64 = arith.constant 16 : i32
    %dma_start3A_65 = tpu.memref_slice %arg14[%dma_start3A_64] : memref<2032xi32, #tpu.memory_space<vmem>> -> memref<2000xi32, #tpu.memory_space<vmem>>
    %dma_start3A_66 = tpu.memref_slice %arg4[%add3A_60] : memref<6400000xi32, #tpu.memory_space<hbm>> -> memref<2000xi32, #tpu.memory_space<hbm>>
    %dma_start3A_67 = arith.constant 16 : i32
    %dma_start3A_68 = tpu.memref_slice %arg14[%dma_start3A_67] : memref<2032xi32, #tpu.memory_space<vmem>> -> memref<2000xi32, #tpu.memory_space<vmem>>
    %dma_start3A_69 = tpu.memref_slice %arg4[%add3A_60] : memref<6400000xi32, #tpu.memory_space<hbm>> -> memref<2000xi32, #tpu.memory_space<hbm>>
    tpu.enqueue_dma source(%dma_start3A_69 : memref<2000xi32, #tpu.memory_space<hbm>>) target(%dma_start3A_68 : memref<2000xi32, #tpu.memory_space<vmem>>) target_semaphore(%arg19 : memref<!tpu.dma_semaphore, #tpu.memory_space<semaphore_mem>>)
    %add3A_70 = arith.constant 2000 : i32
    %add3A_71 = arith.addi %mul3A_2, %add3A_70 : i32
    %dma_start3A_72 = tpu.memref_slice %arg2[%add3A_71] : memref<6400000xf32, #tpu.memory_space<hbm>> -> memref<2000xf32, #tpu.memory_space<hbm>>
    %dma_start3A_73 = tpu.memref_slice %arg2[%add3A_71] : memref<6400000xf32, #tpu.memory_space<hbm>> -> memref<2000xf32, #tpu.memory_space<hbm>>
    tpu.enqueue_dma source(%dma_start3A_73 : memref<2000xf32, #tpu.memory_space<hbm>>) target(%arg7 : memref<2000xf32, #tpu.memory_space<vmem>>) target_semaphore(%arg19 : memref<!tpu.dma_semaphore, #tpu.memory_space<semaphore_mem>>)
    %dma_start3A_74 = tpu.memref_slice %arg3[%add3A_71] : memref<6400000xf32, #tpu.memory_space<hbm>> -> memref<2000xf32, #tpu.memory_space<hbm>>
    %dma_start3A_75 = tpu.memref_slice %arg3[%add3A_71] : memref<6400000xf32, #tpu.memory_space<hbm>> -> memref<2000xf32, #tpu.memory_space<hbm>>
    tpu.enqueue_dma source(%dma_start3A_75 : memref<2000xf32, #tpu.memory_space<hbm>>) target(%arg11 : memref<2000xf32, #tpu.memory_space<vmem>>) target_semaphore(%arg19 : memref<!tpu.dma_semaphore, #tpu.memory_space<semaphore_mem>>)
    %dma_start3A_76 = arith.constant 16 : i32
    %dma_start3A_77 = tpu.memref_slice %arg15[%dma_start3A_76] : memref<2032xi32, #tpu.memory_space<vmem>> -> memref<2000xi32, #tpu.memory_space<vmem>>
    %dma_start3A_78 = tpu.memref_slice %arg4[%add3A_71] : memref<6400000xi32, #tpu.memory_space<hbm>> -> memref<2000xi32, #tpu.memory_space<hbm>>
    %dma_start3A_79 = arith.constant 16 : i32
    %dma_start3A_80 = tpu.memref_slice %arg15[%dma_start3A_79] : memref<2032xi32, #tpu.memory_space<vmem>> -> memref<2000xi32, #tpu.memory_space<vmem>>
    %dma_start3A_81 = tpu.memref_slice %arg4[%add3A_71] : memref<6400000xi32, #tpu.memory_space<hbm>> -> memref<2000xi32, #tpu.memory_space<hbm>>
    tpu.enqueue_dma source(%dma_start3A_81 : memref<2000xi32, #tpu.memory_space<hbm>>) target(%dma_start3A_80 : memref<2000xi32, #tpu.memory_space<vmem>>) target_semaphore(%arg19 : memref<!tpu.dma_semaphore, #tpu.memory_space<semaphore_mem>>)
    %add3A_82 = arith.constant 4000 : i32
    %add3A_83 = arith.addi %mul3A_2, %add3A_82 : i32
    %dma_start3A_84 = tpu.memref_slice %arg2[%add3A_83] : memref<6400000xf32, #tpu.memory_space<hbm>> -> memref<2000xf32, #tpu.memory_space<hbm>>
    %dma_start3A_85 = tpu.memref_slice %arg2[%add3A_83] : memref<6400000xf32, #tpu.memory_space<hbm>> -> memref<2000xf32, #tpu.memory_space<hbm>>
    tpu.enqueue_dma source(%dma_start3A_85 : memref<2000xf32, #tpu.memory_space<hbm>>) target(%arg8 : memref<2000xf32, #tpu.memory_space<vmem>>) target_semaphore(%arg19 : memref<!tpu.dma_semaphore, #tpu.memory_space<semaphore_mem>>)
    %dma_start3A_86 = tpu.memref_slice %arg3[%add3A_83] : memref<6400000xf32, #tpu.memory_space<hbm>> -> memref<2000xf32, #tpu.memory_space<hbm>>
    %dma_start3A_87 = tpu.memref_slice %arg3[%add3A_83] : memref<6400000xf32, #tpu.memory_space<hbm>> -> memref<2000xf32, #tpu.memory_space<hbm>>
    tpu.enqueue_dma source(%dma_start3A_87 : memref<2000xf32, #tpu.memory_space<hbm>>) target(%arg12 : memref<2000xf32, #tpu.memory_space<vmem>>) target_semaphore(%arg19 : memref<!tpu.dma_semaphore, #tpu.memory_space<semaphore_mem>>)
    %dma_start3A_88 = arith.constant 16 : i32
    %dma_start3A_89 = tpu.memref_slice %arg16[%dma_start3A_88] : memref<2032xi32, #tpu.memory_space<vmem>> -> memref<2000xi32, #tpu.memory_space<vmem>>
    %dma_start3A_90 = tpu.memref_slice %arg4[%add3A_83] : memref<6400000xi32, #tpu.memory_space<hbm>> -> memref<2000xi32, #tpu.memory_space<hbm>>
    %dma_start3A_91 = arith.constant 16 : i32
    %dma_start3A_92 = tpu.memref_slice %arg16[%dma_start3A_91] : memref<2032xi32, #tpu.memory_space<vmem>> -> memref<2000xi32, #tpu.memory_space<vmem>>
    %dma_start3A_93 = tpu.memref_slice %arg4[%add3A_83] : memref<6400000xi32, #tpu.memory_space<hbm>> -> memref<2000xi32, #tpu.memory_space<hbm>>
    tpu.enqueue_dma source(%dma_start3A_93 : memref<2000xi32, #tpu.memory_space<hbm>>) target(%dma_start3A_92 : memref<2000xi32, #tpu.memory_space<vmem>>) target_semaphore(%arg19 : memref<!tpu.dma_semaphore, #tpu.memory_space<semaphore_mem>>)
    %scan3A = arith.constant 0 : i32
    %scan3A_94 = arith.constant 0 : i32
    %scan3A_95 = arith.constant 25 : i32
    %scan3A_96 = arith.addi %scan3A_94, %scan3A_95 : i32
    %scan3A_97 = arith.constant 1 : i32
    scf.for %scan3A_99 = %scan3A_94 to %scan3A_96 step %scan3A_97  : i32 {
      %dma_wait3A = arith.constant 0 : i32
      %dma_wait3A_100 = tpu.memref_slice %arg2[%dma_wait3A] : memref<6400000xf32, #tpu.memory_space<hbm>> -> memref<2000xf32, #tpu.memory_space<hbm>>
      %dma_wait3A_101 = arith.constant 0 : i32
      %dma_wait3A_102 = tpu.memref_slice %arg2[%dma_wait3A_101] : memref<6400000xf32, #tpu.memory_space<hbm>> -> memref<2000xf32, #tpu.memory_space<hbm>>
      tpu.wait_dma2 semaphore(%arg19 : memref<!tpu.dma_semaphore, #tpu.memory_space<semaphore_mem>>) src(%dma_wait3A_102 : memref<2000xf32, #tpu.memory_space<hbm>>) dst(%arg6 : memref<2000xf32, #tpu.memory_space<vmem>>)
      %dma_wait3A_103 = arith.constant 0 : i32
      %dma_wait3A_104 = tpu.memref_slice %arg3[%dma_wait3A_103] : memref<6400000xf32, #tpu.memory_space<hbm>> -> memref<2000xf32, #tpu.memory_space<hbm>>
      %dma_wait3A_105 = arith.constant 0 : i32
      %dma_wait3A_106 = tpu.memref_slice %arg3[%dma_wait3A_105] : memref<6400000xf32, #tpu.memory_space<hbm>> -> memref<2000xf32, #tpu.memory_space<hbm>>
      tpu.wait_dma2 semaphore(%arg19 : memref<!tpu.dma_semaphore, #tpu.memory_space<semaphore_mem>>) src(%dma_wait3A_106 : memref<2000xf32, #tpu.memory_space<hbm>>) dst(%arg10 : memref<2000xf32, #tpu.memory_space<vmem>>)
      %dma_wait3A_107 = arith.constant 16 : i32
      %dma_wait3A_108 = tpu.memref_slice %arg14[%dma_wait3A_107] : memref<2032xi32, #tpu.memory_space<vmem>> -> memref<2000xi32, #tpu.memory_space<vmem>>
      %dma_wait3A_109 = arith.constant 0 : i32
      %dma_wait3A_110 = tpu.memref_slice %arg4[%dma_wait3A_109] : memref<6400000xi32, #tpu.memory_space<hbm>> -> memref<2000xi32, #tpu.memory_space<hbm>>
      %dma_wait3A_111 = arith.constant 16 : i32
      %dma_wait3A_112 = tpu.memref_slice %arg14[%dma_wait3A_111] : memref<2032xi32, #tpu.memory_space<vmem>> -> memref<2000xi32, #tpu.memory_space<vmem>>
      %dma_wait3A_113 = arith.constant 0 : i32
      %dma_wait3A_114 = tpu.memref_slice %arg4[%dma_wait3A_113] : memref<6400000xi32, #tpu.memory_space<hbm>> -> memref<2000xi32, #tpu.memory_space<hbm>>
      tpu.wait_dma2 semaphore(%arg19 : memref<!tpu.dma_semaphore, #tpu.memory_space<semaphore_mem>>) src(%dma_wait3A_114 : memref<2000xi32, #tpu.memory_space<hbm>>) dst(%dma_wait3A_112 : memref<2000xi32, #tpu.memory_space<vmem>>)
      %parallel_loop3A_115 = arith.constant 0 : i32
      %parallel_loop3A_116 = arith.constant 2000 : i32
      %parallel_loop3A_117 = arith.constant 16 : i32
      scf.for %parallel_loop3A_216 = %parallel_loop3A_115 to %parallel_loop3A_116 step %parallel_loop3A_117  : i32 {
        %parallel_loop3A_217 = arith.index_cast %parallel_loop3A_216 : i32 to index
        %parallel_loop3A_218 = tpu.vector_load %arg6[%parallel_loop3A_217] {strides = array<i32>} : memref<2000xf32, #tpu.memory_space<vmem>>, vector<16xf32>,
        %parallel_loop3A_219 = arith.index_cast %parallel_loop3A_216 : i32 to index
        %parallel_loop3A_220 = tpu.vector_load %arg10[%parallel_loop3A_219] {strides = array<i32>} : memref<2000xf32, #tpu.memory_space<vmem>>, vector<16xf32>,
        %parallel_loop3A_221 = arith.subf %parallel_loop3A_218, %parallel_loop3A_220 : vector<16xf32>
        %parallel_loop3A_222 = arith.mulf %parallel_loop3A_221, %parallel_loop3A_221 : vector<16xf32>
        %parallel_loop3A_223 = arith.constant 16 : i32
        %parallel_loop3A_224 = arith.addi %parallel_loop3A_223, %parallel_loop3A_216 : i32
        %parallel_loop3A_225 = arith.index_cast %parallel_loop3A_224 : i32 to index
        %parallel_loop3A_226 = tpu.vector_load %arg14[%parallel_loop3A_225] {strides = array<i32>} : memref<2032xi32, #tpu.memory_space<vmem>>, vector<16xi32>,
        %parallel_loop3A_227 = arith.constant 16 : i32
        %parallel_loop3A_228 = arith.addi %parallel_loop3A_227, %parallel_loop3A_216 : i32
        %parallel_loop3A_229 = arith.constant 1 : i32
        %parallel_loop3A_230 = arith.addi %parallel_loop3A_228, %parallel_loop3A_229 : i32
        %parallel_loop3A_231 = arith.index_cast %parallel_loop3A_230 : i32 to index
        %parallel_loop3A_232 = tpu.vector_load %arg14[%parallel_loop3A_231] {strides = array<i32>} : memref<2032xi32, #tpu.memory_space<vmem>>, vector<16xi32>,
        %parallel_loop3A_233 = arith.constant 16 : i32
        %parallel_loop3A_234 = arith.addi %parallel_loop3A_233, %parallel_loop3A_216 : i32
        %parallel_loop3A_235 = arith.constant 1 : i32
        %parallel_loop3A_236 = arith.subi %parallel_loop3A_234, %parallel_loop3A_235 : i32
        %parallel_loop3A_237 = arith.index_cast %parallel_loop3A_236 : i32 to index
        %parallel_loop3A_238 = tpu.vector_load %arg14[%parallel_loop3A_237] {strides = array<i32>} : memref<2032xi32, #tpu.memory_space<vmem>>, vector<16xi32>,
        %parallel_loop3A_239 = arith.constant true
        %parallel_loop3A_240 = vector.broadcast %parallel_loop3A_239 : i1 to vector<16xi1>
        %parallel_loop3A_241 = tpu.scan <sum>, %parallel_loop3A_222 masked %parallel_loop3A_240 : vector<16xf32>, vector<16xi1> -> vector<16xf32>
        %parallel_loop3A_242 = arith.subf %parallel_loop3A_241, %parallel_loop3A_222 : vector<16xf32>
        %parallel_loop3A_243 = arith.cmpi ne, %parallel_loop3A_226, %parallel_loop3A_232 : vector<16xi32>
        %parallel_loop3A_244 = arith.ori %parallel_loop3A_243, %eq3A_24 : vector<16xi1>
        %parallel_loop3A_245 = arith.cmpi ne, %parallel_loop3A_226, %parallel_loop3A_238 : vector<16xi32>
        %parallel_loop3A_246 = arith.constant 0.000000e+00 : f32
        %parallel_loop3A_247 = vector.broadcast %parallel_loop3A_246 : f32 to vector<16xf32>
        %parallel_loop3A_248 = arith.select %parallel_loop3A_244, %parallel_loop3A_241, %parallel_loop3A_247 : vector<16xi1>, vector<16xf32>
        %parallel_loop3A_249 = arith.select %parallel_loop3A_245, %parallel_loop3A_242, %parallel_loop3A_247 : vector<16xi1>, vector<16xf32>
        %parallel_loop3A_250 = arith.subf %parallel_loop3A_248, %parallel_loop3A_249 : vector<16xf32>
        %parallel_loop3A_251 = arith.ori %parallel_loop3A_244, %parallel_loop3A_245 : vector<16xi1>
        tpu.vector_store_idx %arg18[%parallel_loop3A_226], %parallel_loop3A_250 masked %parallel_loop3A_251 {add = true} : memref<100352xf32, #tpu.memory_space<vmem>>[vector<16xi32>], vector<16xf32>, vector<16xi1>
      } {sc.loop_unroll_factor = 2 : i64, sc.parallel_access}
      %mul3A_118 = arith.constant 4 : i32
      %mul3A_119 = arith.muli %mul3A_118, %scan3A_99 : i32
      %add3A_120 = arith.constant 0 : i32
      %add3A_121 = arith.addi %mul3A_119, %add3A_120 : i32
      %add3A_122 = arith.constant 3 : i32
      %add3A_123 = arith.addi %add3A_121, %add3A_122 : i32
      %lt3A = arith.constant 100 : i32
      %lt3A_124 = arith.cmpi slt, %add3A_123, %lt3A : i32
      %convert_element_type3A = arith.extui %lt3A_124 : i1 to i32
      %cond3A = arith.constant 0 : i32
      %cond3A_125 = arith.cmpi ne, %convert_element_type3A, %cond3A : i32
      scf.if %cond3A_125 {
        %mul3A_216 = arith.constant 4 : i32
        %mul3A_217 = arith.muli %mul3A_216, %scan3A_99 : i32
        %add3A_218 = arith.constant 0 : i32
        %add3A_219 = arith.addi %mul3A_217, %add3A_218 : i32
        %add3A_220 = arith.constant 3 : i32
        %add3A_221 = arith.addi %add3A_219, %add3A_220 : i32
        %mul3A_222 = arith.constant 2000 : i32
        %mul3A_223 = arith.muli %add3A_221, %mul3A_222 : i32
        %add3A_224 = arith.addi %mul3A_2, %mul3A_223 : i32
        %dma_start3A_225 = tpu.memref_slice %arg2[%add3A_224] : memref<6400000xf32, #tpu.memory_space<hbm>> -> memref<2000xf32, #tpu.memory_space<hbm>>
        %dma_start3A_226 = tpu.memref_slice %arg2[%add3A_224] : memref<6400000xf32, #tpu.memory_space<hbm>> -> memref<2000xf32, #tpu.memory_space<hbm>>
        tpu.enqueue_dma source(%dma_start3A_226 : memref<2000xf32, #tpu.memory_space<hbm>>) target(%arg9 : memref<2000xf32, #tpu.memory_space<vmem>>) target_semaphore(%arg19 : memref<!tpu.dma_semaphore, #tpu.memory_space<semaphore_mem>>)
        %dma_start3A_227 = tpu.memref_slice %arg3[%add3A_224] : memref<6400000xf32, #tpu.memory_space<hbm>> -> memref<2000xf32, #tpu.memory_space<hbm>>
        %dma_start3A_228 = tpu.memref_slice %arg3[%add3A_224] : memref<6400000xf32, #tpu.memory_space<hbm>> -> memref<2000xf32, #tpu.memory_space<hbm>>
        tpu.enqueue_dma source(%dma_start3A_228 : memref<2000xf32, #tpu.memory_space<hbm>>) target(%arg13 : memref<2000xf32, #tpu.memory_space<vmem>>) target_semaphore(%arg19 : memref<!tpu.dma_semaphore, #tpu.memory_space<semaphore_mem>>)
        %dma_start3A_229 = arith.constant 16 : i32
        %dma_start3A_230 = tpu.memref_slice %arg17[%dma_start3A_229] : memref<2032xi32, #tpu.memory_space<vmem>> -> memref<2000xi32, #tpu.memory_space<vmem>>
        %dma_start3A_231 = tpu.memref_slice %arg4[%add3A_224] : memref<6400000xi32, #tpu.memory_space<hbm>> -> memref<2000xi32, #tpu.memory_space<hbm>>
        %dma_start3A_232 = arith.constant 16 : i32
        %dma_start3A_233 = tpu.memref_slice %arg17[%dma_start3A_232] : memref<2032xi32, #tpu.memory_space<vmem>> -> memref<2000xi32, #tpu.memory_space<vmem>>
        %dma_start3A_234 = tpu.memref_slice %arg4[%add3A_224] : memref<6400000xi32, #tpu.memory_space<hbm>> -> memref<2000xi32, #tpu.memory_space<hbm>>
        tpu.enqueue_dma source(%dma_start3A_234 : memref<2000xi32, #tpu.memory_space<hbm>>) target(%dma_start3A_233 : memref<2000xi32, #tpu.memory_space<vmem>>) target_semaphore(%arg19 : memref<!tpu.dma_semaphore, #tpu.memory_space<semaphore_mem>>)
      } else {
      }
      %dma_wait3A_126 = arith.constant 0 : i32
      %dma_wait3A_127 = tpu.memref_slice %arg2[%dma_wait3A_126] : memref<6400000xf32, #tpu.memory_space<hbm>> -> memref<2000xf32, #tpu.memory_space<hbm>>
      %dma_wait3A_128 = arith.constant 0 : i32
      %dma_wait3A_129 = tpu.memref_slice %arg2[%dma_wait3A_128] : memref<6400000xf32, #tpu.memory_space<hbm>> -> memref<2000xf32, #tpu.memory_space<hbm>>
      tpu.wait_dma2 semaphore(%arg19 : memref<!tpu.dma_semaphore, #tpu.memory_space<semaphore_mem>>) src(%dma_wait3A_129 : memref<2000xf32, #tpu.memory_space<hbm>>) dst(%arg7 : memref<2000xf32, #tpu.memory_space<vmem>>)
      %dma_wait3A_130 = arith.constant 0 : i32
      %dma_wait3A_131 = tpu.memref_slice %arg3[%dma_wait3A_130] : memref<6400000xf32, #tpu.memory_space<hbm>> -> memref<2000xf32, #tpu.memory_space<hbm>>
      %dma_wait3A_132 = arith.constant 0 : i32
      %dma_wait3A_133 = tpu.memref_slice %arg3[%dma_wait3A_132] : memref<6400000xf32, #tpu.memory_space<hbm>> -> memref<2000xf32, #tpu.memory_space<hbm>>
      tpu.wait_dma2 semaphore(%arg19 : memref<!tpu.dma_semaphore, #tpu.memory_space<semaphore_mem>>) src(%dma_wait3A_133 : memref<2000xf32, #tpu.memory_space<hbm>>) dst(%arg11 : memref<2000xf32, #tpu.memory_space<vmem>>)
      %dma_wait3A_134 = arith.constant 16 : i32
      %dma_wait3A_135 = tpu.memref_slice %arg15[%dma_wait3A_134] : memref<2032xi32, #tpu.memory_space<vmem>> -> memref<2000xi32, #tpu.memory_space<vmem>>
      %dma_wait3A_136 = arith.constant 0 : i32
      %dma_wait3A_137 = tpu.memref_slice %arg4[%dma_wait3A_136] : memref<6400000xi32, #tpu.memory_space<hbm>> -> memref<2000xi32, #tpu.memory_space<hbm>>
      %dma_wait3A_138 = arith.constant 16 : i32
      %dma_wait3A_139 = tpu.memref_slice %arg15[%dma_wait3A_138] : memref<2032xi32, #tpu.memory_space<vmem>> -> memref<2000xi32, #tpu.memory_space<vmem>>
      %dma_wait3A_140 = arith.constant 0 : i32
      %dma_wait3A_141 = tpu.memref_slice %arg4[%dma_wait3A_140] : memref<6400000xi32, #tpu.memory_space<hbm>> -> memref<2000xi32, #tpu.memory_space<hbm>>
      tpu.wait_dma2 semaphore(%arg19 : memref<!tpu.dma_semaphore, #tpu.memory_space<semaphore_mem>>) src(%dma_wait3A_141 : memref<2000xi32, #tpu.memory_space<hbm>>) dst(%dma_wait3A_139 : memref<2000xi32, #tpu.memory_space<vmem>>)
      %parallel_loop3A_142 = arith.constant 0 : i32
      %parallel_loop3A_143 = arith.constant 2000 : i32
      %parallel_loop3A_144 = arith.constant 16 : i32
      scf.for %parallel_loop3A_216 = %parallel_loop3A_142 to %parallel_loop3A_143 step %parallel_loop3A_144  : i32 {
        %parallel_loop3A_217 = arith.index_cast %parallel_loop3A_216 : i32 to index
        %parallel_loop3A_218 = tpu.vector_load %arg7[%parallel_loop3A_217] {strides = array<i32>} : memref<2000xf32, #tpu.memory_space<vmem>>, vector<16xf32>,
        %parallel_loop3A_219 = arith.index_cast %parallel_loop3A_216 : i32 to index
        %parallel_loop3A_220 = tpu.vector_load %arg11[%parallel_loop3A_219] {strides = array<i32>} : memref<2000xf32, #tpu.memory_space<vmem>>, vector<16xf32>,
        %parallel_loop3A_221 = arith.subf %parallel_loop3A_218, %parallel_loop3A_220 : vector<16xf32>
        %parallel_loop3A_222 = arith.mulf %parallel_loop3A_221, %parallel_loop3A_221 : vector<16xf32>
        %parallel_loop3A_223 = arith.constant 16 : i32
        %parallel_loop3A_224 = arith.addi %parallel_loop3A_223, %parallel_loop3A_216 : i32
        %parallel_loop3A_225 = arith.index_cast %parallel_loop3A_224 : i32 to index
        %parallel_loop3A_226 = tpu.vector_load %arg15[%parallel_loop3A_225] {strides = array<i32>} : memref<2032xi32, #tpu.memory_space<vmem>>, vector<16xi32>,
        %parallel_loop3A_227 = arith.constant 16 : i32
        %parallel_loop3A_228 = arith.addi %parallel_loop3A_227, %parallel_loop3A_216 : i32
        %parallel_loop3A_229 = arith.constant 1 : i32
        %parallel_loop3A_230 = arith.addi %parallel_loop3A_228, %parallel_loop3A_229 : i32
        %parallel_loop3A_231 = arith.index_cast %parallel_loop3A_230 : i32 to index
        %parallel_loop3A_232 = tpu.vector_load %arg15[%parallel_loop3A_231] {strides = array<i32>} : memref<2032xi32, #tpu.memory_space<vmem>>, vector<16xi32>,
        %parallel_loop3A_233 = arith.constant 16 : i32
        %parallel_loop3A_234 = arith.addi %parallel_loop3A_233, %parallel_loop3A_216 : i32
        %parallel_loop3A_235 = arith.constant 1 : i32
        %parallel_loop3A_236 = arith.subi %parallel_loop3A_234, %parallel_loop3A_235 : i32
        %parallel_loop3A_237 = arith.index_cast %parallel_loop3A_236 : i32 to index
        %parallel_loop3A_238 = tpu.vector_load %arg15[%parallel_loop3A_237] {strides = array<i32>} : memref<2032xi32, #tpu.memory_space<vmem>>, vector<16xi32>,
        %parallel_loop3A_239 = arith.constant true
        %parallel_loop3A_240 = vector.broadcast %parallel_loop3A_239 : i1 to vector<16xi1>
        %parallel_loop3A_241 = tpu.scan <sum>, %parallel_loop3A_222 masked %parallel_loop3A_240 : vector<16xf32>, vector<16xi1> -> vector<16xf32>
        %parallel_loop3A_242 = arith.subf %parallel_loop3A_241, %parallel_loop3A_222 : vector<16xf32>
        %parallel_loop3A_243 = arith.cmpi ne, %parallel_loop3A_226, %parallel_loop3A_232 : vector<16xi32>
        %parallel_loop3A_244 = arith.ori %parallel_loop3A_243, %eq3A_24 : vector<16xi1>
        %parallel_loop3A_245 = arith.cmpi ne, %parallel_loop3A_226, %parallel_loop3A_238 : vector<16xi32>
        %parallel_loop3A_246 = arith.constant 0.000000e+00 : f32
        %parallel_loop3A_247 = vector.broadcast %parallel_loop3A_246 : f32 to vector<16xf32>
        %parallel_loop3A_248 = arith.select %parallel_loop3A_244, %parallel_loop3A_241, %parallel_loop3A_247 : vector<16xi1>, vector<16xf32>
        %parallel_loop3A_249 = arith.select %parallel_loop3A_245, %parallel_loop3A_242, %parallel_loop3A_247 : vector<16xi1>, vector<16xf32>
        %parallel_loop3A_250 = arith.subf %parallel_loop3A_248, %parallel_loop3A_249 : vector<16xf32>
        %parallel_loop3A_251 = arith.ori %parallel_loop3A_244, %parallel_loop3A_245 : vector<16xi1>
        tpu.vector_store_idx %arg18[%parallel_loop3A_226], %parallel_loop3A_250 masked %parallel_loop3A_251 {add = true} : memref<100352xf32, #tpu.memory_space<vmem>>[vector<16xi32>], vector<16xf32>, vector<16xi1>
      } {sc.loop_unroll_factor = 2 : i64, sc.parallel_access}
      %mul3A_145 = arith.constant 4 : i32
      %mul3A_146 = arith.muli %mul3A_145, %scan3A_99 : i32
      %add3A_147 = arith.constant 1 : i32
      %add3A_148 = arith.addi %mul3A_146, %add3A_147 : i32
      %add3A_149 = arith.constant 3 : i32
      %add3A_150 = arith.addi %add3A_148, %add3A_149 : i32
      %lt3A_151 = arith.constant 100 : i32
      %lt3A_152 = arith.cmpi slt, %add3A_150, %lt3A_151 : i32
      %convert_element_type3A_153 = arith.extui %lt3A_152 : i1 to i32
      %cond3A_154 = arith.constant 0 : i32
      %cond3A_155 = arith.cmpi ne, %convert_element_type3A_153, %cond3A_154 : i32
      scf.if %cond3A_155 {
        %mul3A_216 = arith.constant 4 : i32
        %mul3A_217 = arith.muli %mul3A_216, %scan3A_99 : i32
        %add3A_218 = arith.constant 1 : i32
        %add3A_219 = arith.addi %mul3A_217, %add3A_218 : i32
        %add3A_220 = arith.constant 3 : i32
        %add3A_221 = arith.addi %add3A_219, %add3A_220 : i32
        %mul3A_222 = arith.constant 2000 : i32
        %mul3A_223 = arith.muli %add3A_221, %mul3A_222 : i32
        %add3A_224 = arith.addi %mul3A_2, %mul3A_223 : i32
        %dma_start3A_225 = tpu.memref_slice %arg2[%add3A_224] : memref<6400000xf32, #tpu.memory_space<hbm>> -> memref<2000xf32, #tpu.memory_space<hbm>>
        %dma_start3A_226 = tpu.memref_slice %arg2[%add3A_224] : memref<6400000xf32, #tpu.memory_space<hbm>> -> memref<2000xf32, #tpu.memory_space<hbm>>
        tpu.enqueue_dma source(%dma_start3A_226 : memref<2000xf32, #tpu.memory_space<hbm>>) target(%arg6 : memref<2000xf32, #tpu.memory_space<vmem>>) target_semaphore(%arg19 : memref<!tpu.dma_semaphore, #tpu.memory_space<semaphore_mem>>)
        %dma_start3A_227 = tpu.memref_slice %arg3[%add3A_224] : memref<6400000xf32, #tpu.memory_space<hbm>> -> memref<2000xf32, #tpu.memory_space<hbm>>
        %dma_start3A_228 = tpu.memref_slice %arg3[%add3A_224] : memref<6400000xf32, #tpu.memory_space<hbm>> -> memref<2000xf32, #tpu.memory_space<hbm>>
        tpu.enqueue_dma source(%dma_start3A_228 : memref<2000xf32, #tpu.memory_space<hbm>>) target(%arg10 : memref<2000xf32, #tpu.memory_space<vmem>>) target_semaphore(%arg19 : memref<!tpu.dma_semaphore, #tpu.memory_space<semaphore_mem>>)
        %dma_start3A_229 = arith.constant 16 : i32
        %dma_start3A_230 = tpu.memref_slice %arg14[%dma_start3A_229] : memref<2032xi32, #tpu.memory_space<vmem>> -> memref<2000xi32, #tpu.memory_space<vmem>>
        %dma_start3A_231 = tpu.memref_slice %arg4[%add3A_224] : memref<6400000xi32, #tpu.memory_space<hbm>> -> memref<2000xi32, #tpu.memory_space<hbm>>
        %dma_start3A_232 = arith.constant 16 : i32
        %dma_start3A_233 = tpu.memref_slice %arg14[%dma_start3A_232] : memref<2032xi32, #tpu.memory_space<vmem>> -> memref<2000xi32, #tpu.memory_space<vmem>>
        %dma_start3A_234 = tpu.memref_slice %arg4[%add3A_224] : memref<6400000xi32, #tpu.memory_space<hbm>> -> memref<2000xi32, #tpu.memory_space<hbm>>
        tpu.enqueue_dma source(%dma_start3A_234 : memref<2000xi32, #tpu.memory_space<hbm>>) target(%dma_start3A_233 : memref<2000xi32, #tpu.memory_space<vmem>>) target_semaphore(%arg19 : memref<!tpu.dma_semaphore, #tpu.memory_space<semaphore_mem>>)
      } else {
      }
      %dma_wait3A_156 = arith.constant 0 : i32
      %dma_wait3A_157 = tpu.memref_slice %arg2[%dma_wait3A_156] : memref<6400000xf32, #tpu.memory_space<hbm>> -> memref<2000xf32, #tpu.memory_space<hbm>>
      %dma_wait3A_158 = arith.constant 0 : i32
      %dma_wait3A_159 = tpu.memref_slice %arg2[%dma_wait3A_158] : memref<6400000xf32, #tpu.memory_space<hbm>> -> memref<2000xf32, #tpu.memory_space<hbm>>
      tpu.wait_dma2 semaphore(%arg19 : memref<!tpu.dma_semaphore, #tpu.memory_space<semaphore_mem>>) src(%dma_wait3A_159 : memref<2000xf32, #tpu.memory_space<hbm>>) dst(%arg8 : memref<2000xf32, #tpu.memory_space<vmem>>)
      %dma_wait3A_160 = arith.constant 0 : i32
      %dma_wait3A_161 = tpu.memref_slice %arg3[%dma_wait3A_160] : memref<6400000xf32, #tpu.memory_space<hbm>> -> memref<2000xf32, #tpu.memory_space<hbm>>
      %dma_wait3A_162 = arith.constant 0 : i32
      %dma_wait3A_163 = tpu.memref_slice %arg3[%dma_wait3A_162] : memref<6400000xf32, #tpu.memory_space<hbm>> -> memref<2000xf32, #tpu.memory_space<hbm>>
      tpu.wait_dma2 semaphore(%arg19 : memref<!tpu.dma_semaphore, #tpu.memory_space<semaphore_mem>>) src(%dma_wait3A_163 : memref<2000xf32, #tpu.memory_space<hbm>>) dst(%arg12 : memref<2000xf32, #tpu.memory_space<vmem>>)
      %dma_wait3A_164 = arith.constant 16 : i32
      %dma_wait3A_165 = tpu.memref_slice %arg16[%dma_wait3A_164] : memref<2032xi32, #tpu.memory_space<vmem>> -> memref<2000xi32, #tpu.memory_space<vmem>>
      %dma_wait3A_166 = arith.constant 0 : i32
      %dma_wait3A_167 = tpu.memref_slice %arg4[%dma_wait3A_166] : memref<6400000xi32, #tpu.memory_space<hbm>> -> memref<2000xi32, #tpu.memory_space<hbm>>
      %dma_wait3A_168 = arith.constant 16 : i32
      %dma_wait3A_169 = tpu.memref_slice %arg16[%dma_wait3A_168] : memref<2032xi32, #tpu.memory_space<vmem>> -> memref<2000xi32, #tpu.memory_space<vmem>>
      %dma_wait3A_170 = arith.constant 0 : i32
      %dma_wait3A_171 = tpu.memref_slice %arg4[%dma_wait3A_170] : memref<6400000xi32, #tpu.memory_space<hbm>> -> memref<2000xi32, #tpu.memory_space<hbm>>
      tpu.wait_dma2 semaphore(%arg19 : memref<!tpu.dma_semaphore, #tpu.memory_space<semaphore_mem>>) src(%dma_wait3A_171 : memref<2000xi32, #tpu.memory_space<hbm>>) dst(%dma_wait3A_169 : memref<2000xi32, #tpu.memory_space<vmem>>)
      %parallel_loop3A_172 = arith.constant 0 : i32
      %parallel_loop3A_173 = arith.constant 2000 : i32
      %parallel_loop3A_174 = arith.constant 16 : i32
      scf.for %parallel_loop3A_216 = %parallel_loop3A_172 to %parallel_loop3A_173 step %parallel_loop3A_174  : i32 {
        %parallel_loop3A_217 = arith.index_cast %parallel_loop3A_216 : i32 to index
        %parallel_loop3A_218 = tpu.vector_load %arg8[%parallel_loop3A_217] {strides = array<i32>} : memref<2000xf32, #tpu.memory_space<vmem>>, vector<16xf32>,
        %parallel_loop3A_219 = arith.index_cast %parallel_loop3A_216 : i32 to index
        %parallel_loop3A_220 = tpu.vector_load %arg12[%parallel_loop3A_219] {strides = array<i32>} : memref<2000xf32, #tpu.memory_space<vmem>>, vector<16xf32>,
        %parallel_loop3A_221 = arith.subf %parallel_loop3A_218, %parallel_loop3A_220 : vector<16xf32>
        %parallel_loop3A_222 = arith.mulf %parallel_loop3A_221, %parallel_loop3A_221 : vector<16xf32>
        %parallel_loop3A_223 = arith.constant 16 : i32
        %parallel_loop3A_224 = arith.addi %parallel_loop3A_223, %parallel_loop3A_216 : i32
        %parallel_loop3A_225 = arith.index_cast %parallel_loop3A_224 : i32 to index
        %parallel_loop3A_226 = tpu.vector_load %arg16[%parallel_loop3A_225] {strides = array<i32>} : memref<2032xi32, #tpu.memory_space<vmem>>, vector<16xi32>,
        %parallel_loop3A_227 = arith.constant 16 : i32
        %parallel_loop3A_228 = arith.addi %parallel_loop3A_227, %parallel_loop3A_216 : i32
        %parallel_loop3A_229 = arith.constant 1 : i32
        %parallel_loop3A_230 = arith.addi %parallel_loop3A_228, %parallel_loop3A_229 : i32
        %parallel_loop3A_231 = arith.index_cast %parallel_loop3A_230 : i32 to index
        %parallel_loop3A_232 = tpu.vector_load %arg16[%parallel_loop3A_231] {strides = array<i32>} : memref<2032xi32, #tpu.memory_space<vmem>>, vector<16xi32>,
        %parallel_loop3A_233 = arith.constant 16 : i32
        %parallel_loop3A_234 = arith.addi %parallel_loop3A_233, %parallel_loop3A_216 : i32
        %parallel_loop3A_235 = arith.constant 1 : i32
        %parallel_loop3A_236 = arith.subi %parallel_loop3A_234, %parallel_loop3A_235 : i32
        %parallel_loop3A_237 = arith.index_cast %parallel_loop3A_236 : i32 to index
        %parallel_loop3A_238 = tpu.vector_load %arg16[%parallel_loop3A_237] {strides = array<i32>} : memref<2032xi32, #tpu.memory_space<vmem>>, vector<16xi32>,
        %parallel_loop3A_239 = arith.constant true
        %parallel_loop3A_240 = vector.broadcast %parallel_loop3A_239 : i1 to vector<16xi1>
        %parallel_loop3A_241 = tpu.scan <sum>, %parallel_loop3A_222 masked %parallel_loop3A_240 : vector<16xf32>, vector<16xi1> -> vector<16xf32>
        %parallel_loop3A_242 = arith.subf %parallel_loop3A_241, %parallel_loop3A_222 : vector<16xf32>
        %parallel_loop3A_243 = arith.cmpi ne, %parallel_loop3A_226, %parallel_loop3A_232 : vector<16xi32>
        %parallel_loop3A_244 = arith.ori %parallel_loop3A_243, %eq3A_24 : vector<16xi1>
        %parallel_loop3A_245 = arith.cmpi ne, %parallel_loop3A_226, %parallel_loop3A_238 : vector<16xi32>
        %parallel_loop3A_246 = arith.constant 0.000000e+00 : f32
        %parallel_loop3A_247 = vector.broadcast %parallel_loop3A_246 : f32 to vector<16xf32>
        %parallel_loop3A_248 = arith.select %parallel_loop3A_244, %parallel_loop3A_241, %parallel_loop3A_247 : vector<16xi1>, vector<16xf32>
        %parallel_loop3A_249 = arith.select %parallel_loop3A_245, %parallel_loop3A_242, %parallel_loop3A_247 : vector<16xi1>, vector<16xf32>
        %parallel_loop3A_250 = arith.subf %parallel_loop3A_248, %parallel_loop3A_249 : vector<16xf32>
        %parallel_loop3A_251 = arith.ori %parallel_loop3A_244, %parallel_loop3A_245 : vector<16xi1>
        tpu.vector_store_idx %arg18[%parallel_loop3A_226], %parallel_loop3A_250 masked %parallel_loop3A_251 {add = true} : memref<100352xf32, #tpu.memory_space<vmem>>[vector<16xi32>], vector<16xf32>, vector<16xi1>
      } {sc.loop_unroll_factor = 2 : i64, sc.parallel_access}
      %mul3A_175 = arith.constant 4 : i32
      %mul3A_176 = arith.muli %mul3A_175, %scan3A_99 : i32
      %add3A_177 = arith.constant 2 : i32
      %add3A_178 = arith.addi %mul3A_176, %add3A_177 : i32
      %add3A_179 = arith.constant 3 : i32
      %add3A_180 = arith.addi %add3A_178, %add3A_179 : i32
      %lt3A_181 = arith.constant 100 : i32
      %lt3A_182 = arith.cmpi slt, %add3A_180, %lt3A_181 : i32
      %convert_element_type3A_183 = arith.extui %lt3A_182 : i1 to i32
      %cond3A_184 = arith.constant 0 : i32
      %cond3A_185 = arith.cmpi ne, %convert_element_type3A_183, %cond3A_184 : i32
      scf.if %cond3A_185 {
        %mul3A_216 = arith.constant 4 : i32
        %mul3A_217 = arith.muli %mul3A_216, %scan3A_99 : i32
        %add3A_218 = arith.constant 2 : i32
        %add3A_219 = arith.addi %mul3A_217, %add3A_218 : i32
        %add3A_220 = arith.constant 3 : i32
        %add3A_221 = arith.addi %add3A_219, %add3A_220 : i32
        %mul3A_222 = arith.constant 2000 : i32
        %mul3A_223 = arith.muli %add3A_221, %mul3A_222 : i32
        %add3A_224 = arith.addi %mul3A_2, %mul3A_223 : i32
        %dma_start3A_225 = tpu.memref_slice %arg2[%add3A_224] : memref<6400000xf32, #tpu.memory_space<hbm>> -> memref<2000xf32, #tpu.memory_space<hbm>>
        %dma_start3A_226 = tpu.memref_slice %arg2[%add3A_224] : memref<6400000xf32, #tpu.memory_space<hbm>> -> memref<2000xf32, #tpu.memory_space<hbm>>
        tpu.enqueue_dma source(%dma_start3A_226 : memref<2000xf32, #tpu.memory_space<hbm>>) target(%arg7 : memref<2000xf32, #tpu.memory_space<vmem>>) target_semaphore(%arg19 : memref<!tpu.dma_semaphore, #tpu.memory_space<semaphore_mem>>)
        %dma_start3A_227 = tpu.memref_slice %arg3[%add3A_224] : memref<6400000xf32, #tpu.memory_space<hbm>> -> memref<2000xf32, #tpu.memory_space<hbm>>
        %dma_start3A_228 = tpu.memref_slice %arg3[%add3A_224] : memref<6400000xf32, #tpu.memory_space<hbm>> -> memref<2000xf32, #tpu.memory_space<hbm>>
        tpu.enqueue_dma source(%dma_start3A_228 : memref<2000xf32, #tpu.memory_space<hbm>>) target(%arg11 : memref<2000xf32, #tpu.memory_space<vmem>>) target_semaphore(%arg19 : memref<!tpu.dma_semaphore, #tpu.memory_space<semaphore_mem>>)
        %dma_start3A_229 = arith.constant 16 : i32
        %dma_start3A_230 = tpu.memref_slice %arg15[%dma_start3A_229] : memref<2032xi32, #tpu.memory_space<vmem>> -> memref<2000xi32, #tpu.memory_space<vmem>>
        %dma_start3A_231 = tpu.memref_slice %arg4[%add3A_224] : memref<6400000xi32, #tpu.memory_space<hbm>> -> memref<2000xi32, #tpu.memory_space<hbm>>
        %dma_start3A_232 = arith.constant 16 : i32
        %dma_start3A_233 = tpu.memref_slice %arg15[%dma_start3A_232] : memref<2032xi32, #tpu.memory_space<vmem>> -> memref<2000xi32, #tpu.memory_space<vmem>>
        %dma_start3A_234 = tpu.memref_slice %arg4[%add3A_224] : memref<6400000xi32, #tpu.memory_space<hbm>> -> memref<2000xi32, #tpu.memory_space<hbm>>
        tpu.enqueue_dma source(%dma_start3A_234 : memref<2000xi32, #tpu.memory_space<hbm>>) target(%dma_start3A_233 : memref<2000xi32, #tpu.memory_space<vmem>>) target_semaphore(%arg19 : memref<!tpu.dma_semaphore, #tpu.memory_space<semaphore_mem>>)
      } else {
      }
      %dma_wait3A_186 = arith.constant 0 : i32
      %dma_wait3A_187 = tpu.memref_slice %arg2[%dma_wait3A_186] : memref<6400000xf32, #tpu.memory_space<hbm>> -> memref<2000xf32, #tpu.memory_space<hbm>>
      %dma_wait3A_188 = arith.constant 0 : i32
      %dma_wait3A_189 = tpu.memref_slice %arg2[%dma_wait3A_188] : memref<6400000xf32, #tpu.memory_space<hbm>> -> memref<2000xf32, #tpu.memory_space<hbm>>
      tpu.wait_dma2 semaphore(%arg19 : memref<!tpu.dma_semaphore, #tpu.memory_space<semaphore_mem>>) src(%dma_wait3A_189 : memref<2000xf32, #tpu.memory_space<hbm>>) dst(%arg9 : memref<2000xf32, #tpu.memory_space<vmem>>)
      %dma_wait3A_190 = arith.constant 0 : i32
      %dma_wait3A_191 = tpu.memref_slice %arg3[%dma_wait3A_190] : memref<6400000xf32, #tpu.memory_space<hbm>> -> memref<2000xf32, #tpu.memory_space<hbm>>
      %dma_wait3A_192 = arith.constant 0 : i32
      %dma_wait3A_193 = tpu.memref_slice %arg3[%dma_wait3A_192] : memref<6400000xf32, #tpu.memory_space<hbm>> -> memref<2000xf32, #tpu.memory_space<hbm>>
      tpu.wait_dma2 semaphore(%arg19 : memref<!tpu.dma_semaphore, #tpu.memory_space<semaphore_mem>>) src(%dma_wait3A_193 : memref<2000xf32, #tpu.memory_space<hbm>>) dst(%arg13 : memref<2000xf32, #tpu.memory_space<vmem>>)
      %dma_wait3A_194 = arith.constant 16 : i32
      %dma_wait3A_195 = tpu.memref_slice %arg17[%dma_wait3A_194] : memref<2032xi32, #tpu.memory_space<vmem>> -> memref<2000xi32, #tpu.memory_space<vmem>>
      %dma_wait3A_196 = arith.constant 0 : i32
      %dma_wait3A_197 = tpu.memref_slice %arg4[%dma_wait3A_196] : memref<6400000xi32, #tpu.memory_space<hbm>> -> memref<2000xi32, #tpu.memory_space<hbm>>
      %dma_wait3A_198 = arith.constant 16 : i32
      %dma_wait3A_199 = tpu.memref_slice %arg17[%dma_wait3A_198] : memref<2032xi32, #tpu.memory_space<vmem>> -> memref<2000xi32, #tpu.memory_space<vmem>>
      %dma_wait3A_200 = arith.constant 0 : i32
      %dma_wait3A_201 = tpu.memref_slice %arg4[%dma_wait3A_200] : memref<6400000xi32, #tpu.memory_space<hbm>> -> memref<2000xi32, #tpu.memory_space<hbm>>
      tpu.wait_dma2 semaphore(%arg19 : memref<!tpu.dma_semaphore, #tpu.memory_space<semaphore_mem>>) src(%dma_wait3A_201 : memref<2000xi32, #tpu.memory_space<hbm>>) dst(%dma_wait3A_199 : memref<2000xi32, #tpu.memory_space<vmem>>)
      %parallel_loop3A_202 = arith.constant 0 : i32
      %parallel_loop3A_203 = arith.constant 2000 : i32
      %parallel_loop3A_204 = arith.constant 16 : i32
      scf.for %parallel_loop3A_216 = %parallel_loop3A_202 to %parallel_loop3A_203 step %parallel_loop3A_204  : i32 {
        %parallel_loop3A_217 = arith.index_cast %parallel_loop3A_216 : i32 to index
        %parallel_loop3A_218 = tpu.vector_load %arg9[%parallel_loop3A_217] {strides = array<i32>} : memref<2000xf32, #tpu.memory_space<vmem>>, vector<16xf32>,
        %parallel_loop3A_219 = arith.index_cast %parallel_loop3A_216 : i32 to index
        %parallel_loop3A_220 = tpu.vector_load %arg13[%parallel_loop3A_219] {strides = array<i32>} : memref<2000xf32, #tpu.memory_space<vmem>>, vector<16xf32>,
        %parallel_loop3A_221 = arith.subf %parallel_loop3A_218, %parallel_loop3A_220 : vector<16xf32>
        %parallel_loop3A_222 = arith.mulf %parallel_loop3A_221, %parallel_loop3A_221 : vector<16xf32>
        %parallel_loop3A_223 = arith.constant 16 : i32
        %parallel_loop3A_224 = arith.addi %parallel_loop3A_223, %parallel_loop3A_216 : i32
        %parallel_loop3A_225 = arith.index_cast %parallel_loop3A_224 : i32 to index
        %parallel_loop3A_226 = tpu.vector_load %arg17[%parallel_loop3A_225] {strides = array<i32>} : memref<2032xi32, #tpu.memory_space<vmem>>, vector<16xi32>,
        %parallel_loop3A_227 = arith.constant 16 : i32
        %parallel_loop3A_228 = arith.addi %parallel_loop3A_227, %parallel_loop3A_216 : i32
        %parallel_loop3A_229 = arith.constant 1 : i32
        %parallel_loop3A_230 = arith.addi %parallel_loop3A_228, %parallel_loop3A_229 : i32
        %parallel_loop3A_231 = arith.index_cast %parallel_loop3A_230 : i32 to index
        %parallel_loop3A_232 = tpu.vector_load %arg17[%parallel_loop3A_231] {strides = array<i32>} : memref<2032xi32, #tpu.memory_space<vmem>>, vector<16xi32>,
        %parallel_loop3A_233 = arith.constant 16 : i32
        %parallel_loop3A_234 = arith.addi %parallel_loop3A_233, %parallel_loop3A_216 : i32
        %parallel_loop3A_235 = arith.constant 1 : i32
        %parallel_loop3A_236 = arith.subi %parallel_loop3A_234, %parallel_loop3A_235 : i32
        %parallel_loop3A_237 = arith.index_cast %parallel_loop3A_236 : i32 to index
        %parallel_loop3A_238 = tpu.vector_load %arg17[%parallel_loop3A_237] {strides = array<i32>} : memref<2032xi32, #tpu.memory_space<vmem>>, vector<16xi32>,
        %parallel_loop3A_239 = arith.constant true
        %parallel_loop3A_240 = vector.broadcast %parallel_loop3A_239 : i1 to vector<16xi1>
        %parallel_loop3A_241 = tpu.scan <sum>, %parallel_loop3A_222 masked %parallel_loop3A_240 : vector<16xf32>, vector<16xi1> -> vector<16xf32>
        %parallel_loop3A_242 = arith.subf %parallel_loop3A_241, %parallel_loop3A_222 : vector<16xf32>
        %parallel_loop3A_243 = arith.cmpi ne, %parallel_loop3A_226, %parallel_loop3A_232 : vector<16xi32>
        %parallel_loop3A_244 = arith.ori %parallel_loop3A_243, %eq3A_24 : vector<16xi1>
        %parallel_loop3A_245 = arith.cmpi ne, %parallel_loop3A_226, %parallel_loop3A_238 : vector<16xi32>
        %parallel_loop3A_246 = arith.constant 0.000000e+00 : f32
        %parallel_loop3A_247 = vector.broadcast %parallel_loop3A_246 : f32 to vector<16xf32>
        %parallel_loop3A_248 = arith.select %parallel_loop3A_244, %parallel_loop3A_241, %parallel_loop3A_247 : vector<16xi1>, vector<16xf32>
        %parallel_loop3A_249 = arith.select %parallel_loop3A_245, %parallel_loop3A_242, %parallel_loop3A_247 : vector<16xi1>, vector<16xf32>
        %parallel_loop3A_250 = arith.subf %parallel_loop3A_248, %parallel_loop3A_249 : vector<16xf32>
        %parallel_loop3A_251 = arith.ori %parallel_loop3A_244, %parallel_loop3A_245 : vector<16xi1>
        tpu.vector_store_idx %arg18[%parallel_loop3A_226], %parallel_loop3A_250 masked %parallel_loop3A_251 {add = true} : memref<100352xf32, #tpu.memory_space<vmem>>[vector<16xi32>], vector<16xf32>, vector<16xi1>
      } {sc.loop_unroll_factor = 2 : i64, sc.parallel_access}
      %mul3A_205 = arith.constant 4 : i32
      %mul3A_206 = arith.muli %mul3A_205, %scan3A_99 : i32
      %add3A_207 = arith.constant 3 : i32
      %add3A_208 = arith.addi %mul3A_206, %add3A_207 : i32
      %add3A_209 = arith.constant 3 : i32
      %add3A_210 = arith.addi %add3A_208, %add3A_209 : i32
      %lt3A_211 = arith.constant 100 : i32
      %lt3A_212 = arith.cmpi slt, %add3A_210, %lt3A_211 : i32
      %convert_element_type3A_213 = arith.extui %lt3A_212 : i1 to i32
      %cond3A_214 = arith.constant 0 : i32
      %cond3A_215 = arith.cmpi ne, %convert_element_type3A_213, %cond3A_214 : i32
      scf.if %cond3A_215 {
        %mul3A_216 = arith.constant 4 : i32
        %mul3A_217 = arith.muli %mul3A_216, %scan3A_99 : i32
        %add3A_218 = arith.constant 3 : i32
        %add3A_219 = arith.addi %mul3A_217, %add3A_218 : i32
        %add3A_220 = arith.constant 3 : i32
        %add3A_221 = arith.addi %add3A_219, %add3A_220 : i32
        %mul3A_222 = arith.constant 2000 : i32
        %mul3A_223 = arith.muli %add3A_221, %mul3A_222 : i32
        %add3A_224 = arith.addi %mul3A_2, %mul3A_223 : i32
        %dma_start3A_225 = tpu.memref_slice %arg2[%add3A_224] : memref<6400000xf32, #tpu.memory_space<hbm>> -> memref<2000xf32, #tpu.memory_space<hbm>>
        %dma_start3A_226 = tpu.memref_slice %arg2[%add3A_224] : memref<6400000xf32, #tpu.memory_space<hbm>> -> memref<2000xf32, #tpu.memory_space<hbm>>
        tpu.enqueue_dma source(%dma_start3A_226 : memref<2000xf32, #tpu.memory_space<hbm>>) target(%arg8 : memref<2000xf32, #tpu.memory_space<vmem>>) target_semaphore(%arg19 : memref<!tpu.dma_semaphore, #tpu.memory_space<semaphore_mem>>)
        %dma_start3A_227 = tpu.memref_slice %arg3[%add3A_224] : memref<6400000xf32, #tpu.memory_space<hbm>> -> memref<2000xf32, #tpu.memory_space<hbm>>
        %dma_start3A_228 = tpu.memref_slice %arg3[%add3A_224] : memref<6400000xf32, #tpu.memory_space<hbm>> -> memref<2000xf32, #tpu.memory_space<hbm>>
        tpu.enqueue_dma source(%dma_start3A_228 : memref<2000xf32, #tpu.memory_space<hbm>>) target(%arg12 : memref<2000xf32, #tpu.memory_space<vmem>>) target_semaphore(%arg19 : memref<!tpu.dma_semaphore, #tpu.memory_space<semaphore_mem>>)
        %dma_start3A_229 = arith.constant 16 : i32
        %dma_start3A_230 = tpu.memref_slice %arg16[%dma_start3A_229] : memref<2032xi32, #tpu.memory_space<vmem>> -> memref<2000xi32, #tpu.memory_space<vmem>>
        %dma_start3A_231 = tpu.memref_slice %arg4[%add3A_224] : memref<6400000xi32, #tpu.memory_space<hbm>> -> memref<2000xi32, #tpu.memory_space<hbm>>
        %dma_start3A_232 = arith.constant 16 : i32
        %dma_start3A_233 = tpu.memref_slice %arg16[%dma_start3A_232] : memref<2032xi32, #tpu.memory_space<vmem>> -> memref<2000xi32, #tpu.memory_space<vmem>>
        %dma_start3A_234 = tpu.memref_slice %arg4[%add3A_224] : memref<6400000xi32, #tpu.memory_space<hbm>> -> memref<2000xi32, #tpu.memory_space<hbm>>
        tpu.enqueue_dma source(%dma_start3A_234 : memref<2000xi32, #tpu.memory_space<hbm>>) target(%dma_start3A_233 : memref<2000xi32, #tpu.memory_space<vmem>>) target_semaphore(%arg19 : memref<!tpu.dma_semaphore, #tpu.memory_space<semaphore_mem>>)
      } else {
      }
    }
    %scan3A_98 = arith.constant 25 : i32
    "tpu.region"() ({
      %run_scoped3A = tpu.sem_alloc : memref<!tpu.dma_semaphore, #tpu.memory_space<semaphore_mem>>
      %dma_start3A_99 = arith.constant 0 : i32
      %dma_start3A_100 = tpu.memref_slice %arg5[%add3A, %dma_start3A_99] : memref<32x100352xf32, #tpu.memory_space<hbm>> -> memref<1x100352xf32, #tpu.memory_space<hbm>>
      %dma_start3A_101 = tpu.memref_squeeze %dma_start3A_100 : memref<1x100352xf32, #tpu.memory_space<hbm>> -> memref<100352xf32, #tpu.memory_space<hbm>>
      %dma_start3A_102 = arith.constant 0 : i32
      %dma_start3A_103 = tpu.memref_slice %arg5[%add3A, %dma_start3A_102] : memref<32x100352xf32, #tpu.memory_space<hbm>> -> memref<1x100352xf32, #tpu.memory_space<hbm>>
      %dma_start3A_104 = tpu.memref_squeeze %dma_start3A_103 : memref<1x100352xf32, #tpu.memory_space<hbm>> -> memref<100352xf32, #tpu.memory_space<hbm>>
      tpu.enqueue_dma source(%arg18 : memref<100352xf32, #tpu.memory_space<vmem>>) target(%dma_start3A_104 : memref<100352xf32, #tpu.memory_space<hbm>>) target_semaphore(%run_scoped3A : memref<!tpu.dma_semaphore, #tpu.memory_space<semaphore_mem>>)
      %dma_wait3A = arith.constant 0 : i32
      %dma_wait3A_105 = tpu.memref_slice %arg5[%add3A, %dma_wait3A] : memref<32x100352xf32, #tpu.memory_space<hbm>> -> memref<1x100352xf32, #tpu.memory_space<hbm>>
      %dma_wait3A_106 = tpu.memref_squeeze %dma_wait3A_105 : memref<1x100352xf32, #tpu.memory_space<hbm>> -> memref<100352xf32, #tpu.memory_space<hbm>>
      %dma_wait3A_107 = arith.constant 0 : i32
      %dma_wait3A_108 = tpu.memref_slice %arg5[%add3A, %dma_wait3A_107] : memref<32x100352xf32, #tpu.memory_space<hbm>> -> memref<1x100352xf32, #tpu.memory_space<hbm>>
      %dma_wait3A_109 = tpu.memref_squeeze %dma_wait3A_108 : memref<1x100352xf32, #tpu.memory_space<hbm>> -> memref<100352xf32, #tpu.memory_space<hbm>>
      tpu.wait_dma2 semaphore(%run_scoped3A : memref<!tpu.dma_semaphore, #tpu.memory_space<semaphore_mem>>) src(%arg18 : memref<100352xf32, #tpu.memory_space<vmem>>) dst(%dma_wait3A_109 : memref<100352xf32, #tpu.memory_space<hbm>>)
      tpu.yield
    }) : () -> ()
    return
  }
}

module attributes {stable_mosaic.version = 14 : i64} {
  func.func @_finalize_kernel(%arg0: i32, %arg1: memref<32x50176xf32, #tpu.memory_space<vmem>>, %arg2: memref<1x1xf32, #tpu.memory_space<vmem>>) attributes {dimension_semantics = [#tpu.dimension_semantics<arbitrary>], iteration_bounds = array<i64: 2>, scalar_prefetch = 0 : i64, scratch_operands = 0 : i64, tpu.core_type = #tpu.core_type<tc>, window_params = [{transform_indices = @transform_0, window_bounds = array<i64: 32, 50176>}, {pipeline_mode = #tpu.pipeline_mode<synchronous>, transform_indices = @transform_1, window_bounds = array<i64: 1, 1>}]} {
    %eq3A = arith.constant 0 : i32
    %eq3A_0 = arith.cmpi eq, %arg0, %eq3A : i32
    %convert_element_type3A = arith.extui %eq3A_0 : i1 to i32
    %cond3A = arith.constant 0 : i32
    %cond3A_1 = arith.cmpi ne, %convert_element_type3A, %cond3A : i32
    scf.if %cond3A_1 {
      %broadcast_in_dim3A_23 = arith.constant 0.000000e+00 : f32
      %broadcast_in_dim3A_24 = vector.broadcast %broadcast_in_dim3A_23 : f32 to vector<1x1xf32>
      %swap3A_25 = arith.constant 0 : index
      %swap3A_26 = arith.constant 0 : index
      %swap3A_27 = vector.load %arg2[%swap3A_25, %swap3A_26] : memref<1x1xf32, #tpu.memory_space<vmem>>, vector<1x1xf32>
      tpu.vector_store %arg2[%swap3A_25, %swap3A_26], %broadcast_in_dim3A_24 {strides = array<i32>} : memref<1x1xf32, #tpu.memory_space<vmem>>, vector<1x1xf32>,
    } else {
    }
    %get3A = arith.constant 0 : index
    %get3A_2 = arith.constant 0 : index
    %get3A_3 = vector.load %arg1[%get3A, %get3A_2] : memref<32x50176xf32, #tpu.memory_space<vmem>>, vector<32x50176xf32>
    %mul3A = arith.constant 50176 : i32
    %mul3A_4 = arith.muli %arg0, %mul3A : i32
    %iota3A = tpu.iota {dimensions = array<i32: 1>} : vector<1x50176xi32>
    %add3A = vector.broadcast %mul3A_4 : i32 to vector<1x50176xi32>
    %add3A_5 = arith.addi %add3A, %iota3A : vector<1x50176xi32>
    %reduce_sum3A = arith.constant dense<0.000000e+00> : vector<50176xf32>
    %reduce_sum3A_6 = vector.multi_reduction <add>, %get3A_3, %reduce_sum3A [0] : vector<32x50176xf32> to vector<50176xf32>
    %broadcast_in_dim3A = vector.shape_cast %reduce_sum3A_6 : vector<50176xf32> to vector<1x50176xf32>
    %lt3A = arith.constant 100000 : i32
    %lt3A_7 = vector.broadcast %lt3A : i32 to vector<1x50176xi32>
    %lt3A_8 = arith.cmpi slt, %add3A_5, %lt3A_7 : vector<1x50176xi32>
    %sqrt3A = math.sqrt %broadcast_in_dim3A : vector<1x50176xf32>
    %jit3A = arith.constant 0.000000e+00 : f32
    %broadcast_in_dim3A_9 = vector.broadcast %jit3A : f32 to vector<1x50176xf32>
    %select_n3A = arith.select %lt3A_8, %sqrt3A, %broadcast_in_dim3A_9 : vector<1x50176xi1>, vector<1x50176xf32>
    %get3A_10 = arith.constant 0 : index
    %get3A_11 = arith.constant 0 : index
    %get3A_12 = vector.load %arg2[%get3A_10, %get3A_11] : memref<1x1xf32, #tpu.memory_space<vmem>>, vector<1x1xf32>
    %reduce_sum3A_13 = vector.shape_cast %select_n3A : vector<1x50176xf32> to vector<1x1x50176xf32>
    %reduce_sum3A_14 = arith.constant dense<0.000000e+00> : vector<1xf32>
    %reduce_sum3A_15 = vector.multi_reduction <add>, %reduce_sum3A_13, %reduce_sum3A_14 [1, 2] : vector<1x1x50176xf32> to vector<1xf32>
    %reduce_sum3A_16 = vector.shape_cast %reduce_sum3A_15 : vector<1xf32> to vector<1x1x1xf32>
    %reduce_sum3A_17 = vector.extract %reduce_sum3A_16[0, 0, 0] : f32 from vector<1x1x1xf32>
    %mul3A_18 = arith.constant 9.99999974E-6 : f32
    %mul3A_19 = arith.mulf %reduce_sum3A_17, %mul3A_18 : f32
    %reshape3A = vector.broadcast %mul3A_19 : f32 to vector<1x1xf32>
    %add3A_20 = arith.addf %get3A_12, %reshape3A : vector<1x1xf32>
    %swap3A = arith.constant 0 : index
    %swap3A_21 = arith.constant 0 : index
    %swap3A_22 = vector.load %arg2[%swap3A, %swap3A_21] : memref<1x1xf32, #tpu.memory_space<vmem>>, vector<1x1xf32>
    tpu.vector_store %arg2[%swap3A, %swap3A_21], %add3A_20 {strides = array<i32>} : memref<1x1xf32, #tpu.memory_space<vmem>>, vector<1x1xf32>,
    return
  }
  func.func @transform_0(%arg0: i32) -> (i32, i32) {
    %c0_i32 = arith.constant 0 : i32
    %c0_i32_0 = arith.constant 0 : i32
    return %c0_i32, %arg0 : i32, i32
  }
  func.func @transform_1(%arg0: i32) -> (i32, i32) {
    %c0_i32 = arith.constant 0 : i32
    %c0_i32_0 = arith.constant 0 : i32
    %c0_i32_1 = arith.constant 0 : i32
    return %c0_i32, %c0_i32_0 : i32, i32
  }
}

</mosaic_0001>

<sc_bundles>
// kernel: kernel.4.cloned.1.call-start
scs
__scs_entry_jumppad:
0x0: {  	(pc) =	sbr.rel $0x88, $3  }
0x1: {  	(tag) =	ssettag $0x0;
	lr =	simm.s32 $0x1  }
0x2: {  	[smem:$0x3F9E] =	sst lr;
	_ =	strace $0xD0000000  }
0x3: {  	_ = 	snop  }
0x4: {  	_ = 	snop  }
0x5: {  	_ = 	snop  }
0x6: {  	_ = 	snop  }
0x7: {  	_ = 	snop  }
__scs_overlays_trampoline_lowered:
0x8: {  	[smem:$0x3FAD] =	sst s0  }
0x9: {  	[smem:$0x3FAE] =	sst s1  }
0xa: {  	[smem:$0x3FAF] =	sst s2  }
0xb: {  	[smem:$0x3FB0] =	sst s3  }
0xc: {  	[smem:$0x3FB1] =	sst s4  }
0xd: {  	[smem:$0x3FB2] =	sst s5  }
0xe: {  	[smem:$0x3FB3] =	sst s6  }
0xf: {  	[smem:$0x3FB4] =	sst s7  }
0x10: {  	[smem:$0x3FB5] =	sst s8  }
0x11: {  	[smem:$0x3FB6] =	sst s9;
	s0 =	simm.s32 @!p0 $0x0  }
0x12: {  	s1 =	sld [smem:$0x3F9C];
	s0 =	simm.s32 @p0 $0x1  }
0x13: {  	[smem:$0x3FB7] =	sst s0;
	s0 =	simm.s32 @!p1 $0x0  }
0x14: {  	s2 =	sld [smem:$0x3F9B];
	s0 =	simm.s32 @p1 $0x1  }
0x15: {  	[smem:$0x3FB8] =	sst s0;
	s0 =	simm.s32 @!p2 $0x0  }
0x16: {  	s3 =	sld [smem:$0x3FDB];
	s0 =	simm.s32 @p2 $0x1  }
0x17: {  	s4 =	simm.s32 $0x1BF5;
	[smem:$0x3FBA] =	sst s0  }
0x18: {  	s0 =	sld [smem:$0x3F9D];
	_ =	swait.ge [sflag:s4], $0x0  }
0x19: {  	s7 =	sld [smem:$0x3F9E]  }
0x1a: {  	s8 =	sadd.s32 $0xFFFFE003, lr  }
0x1b: {  	s9 =	sadd.s32 $0xFFFFFEF7, lr;
	s5 =	simm.s32 $0xFFFFFFFF;
	p2 =	slt.u32 s8, $0xFFFFF086  }
0x1c: {  	p1 =	slt.u32 s9, $0xF7A;
	s5 =	simm.s32 @!p2 $0x0  }
0x1d: {  	s5 =	simm.s32 @p1 $0x1;
	p0 =	seq.s32 s7, s2  }
0x1e: {  	s7 =	smul.u32 @!p0 $0xF7A, s2;
	p2 =	seq.s32 @!p0 s5, $0x0  }
0x1f: {  	s9 =	smul.u32 $0xF7A, s1;
	s8 =	simm.s32 @!p0 $0x1BF5;
	p2 =	por !p2, p0  }
0x20: {  	[sflag:s8] =	ssyncset.s32 @!p0 $0xFFFFF086;
	s6 =	sadd.s32 @!p0 s3, s7;
	s7 =	simm.s32 @!p0 $0x108  }
0x21: {  	s3 =	sadd.s32 s3, s9;
	s6 =	sadd.s32 @!p0 $0x88, s6;
	s7 =	simm.s32 @p2 $0x1082  }
0x22: {  	[simem:s7], [sflag:s8] =	dma.local @!p0 [hbm:s6], $0xF7A  }
0x23: {  	s9 =	sor.u32 $0xD0000000, s2;
	s6 =	simm.s32 $0x108;
	_ =	swait.ge @!p0 [sflag:s8], $0x0  }
0x24: {  	s3 =	sadd.s32 $0x88, s3;
	s6 =	simm.s32 @!p1 $0x1082;
	[sflag:s4] =	ssyncset.s32 $0xFFFFF086  }
0x25: {  	[simem:s6], [sflag:s4] =	dma.local [hbm:s3], $0xF7A  }
0x26: {  	[smem:$0x3F9E] =	sst s1;
	(tag) =	ssettag s2;
	_ =	strace s9  }
0x27: {  	s1 =	sld [smem:$0x3FAE]  }
0x28: {  	s2 =	sld [smem:$0x3FAF]  }
0x29: {  	s4 =	sld [smem:$0x3FB1]  }
0x2a: {  	p0 =	seq.s32 s5, $0x0;
	s5 =	sld [smem:$0x3FB2]  }
0x2b: {  	s6 =	sld [smem:$0x3FB3]  }
0x2c: {  	s7 =	sld [smem:$0x3FB4]  }
0x2d: {  	s3 =	simm.s32 $0x108;
	s8 =	sld [smem:$0x3FB5]  }
0x2e: {  	s3 =	simm.s32 @!p0 $0x1082;
	s9 =	sld [smem:$0x3FB6]  }
0x2f: {  	lr =	sadd.s32 s0, s3;
	s0 =	sld [smem:$0x3FAD]  }
0x30: {  	s3 =	sld [smem:$0x3FB0]  }
0x31: {  	[smem:$0x3FB9] =	sst s10  }
0x32: {  	s10 =	sld [smem:$0x3FB7];
	_ =	sdelay $0x3  }
0x33: {  	p0 =	seq.s32 s10, $0x1;
	s10 =	sld [smem:$0x3FB9];
	_ =	sdelay $0x3  }
0x34: {  	[smem:$0x3FB9] =	sst s10  }
0x35: {  	s10 =	sld [smem:$0x3FB8];
	_ =	sdelay $0x3  }
0x36: {  	p1 =	seq.s32 s10, $0x1;
	s10 =	sld [smem:$0x3FB9];
	_ =	sdelay $0x3  }
0x37: {  	[smem:$0x3FB9] =	sst s10  }
0x38: {  	s10 =	sld [smem:$0x3FBA]  }
0x39: {  	_ = 	snop;
	(pc) =	sbr.ind lr, $3  }
0x3a: {  	_ = 	snop  }
0x3b: {  	_ = 	snop  }
0x3c: {  	p2 =	seq.s32 s10, $0x1;
	s10 =	sld [smem:$0x3FB9]  }
0x3d: {  	_ =	shalt  }
0x3e: {  	_ =	shalt  }
0x3f: {  	_ =	shalt  }
0x40: {  	_ =	shalt  }
0x41: {  	_ =	shalt  }
0x42: {  	_ =	shalt  }
0x43: {  	_ =	shalt  }
0x44: {  	_ =	shalt  }
0x45: {  	_ =	shalt  }
0x46: {  	_ =	shalt  }
0x47: {  	_ =	shalt  }
0x48: {  	_ =	shalt  }
0x49: {  	_ =	shalt  }
0x4a: {  	_ =	shalt  }
0x4b: {  	_ =	shalt  }
0x4c: {  	_ =	shalt  }
0x4d: {  	_ =	shalt  }
0x4e: {  	_ =	shalt  }
0x4f: {  	_ =	shalt  }
0x50: {  	_ =	shalt  }
0x51: {  	_ =	shalt  }
0x52: {  	_ =	shalt  }
0x53: {  	_ =	shalt  }
0x54: {  	_ =	shalt  }
0x55: {  	_ =	shalt  }
0x56: {  	_ =	shalt  }
0x57: {  	_ =	shalt  }
0x58: {  	_ =	shalt  }
0x59: {  	_ =	shalt  }
0x5a: {  	_ =	shalt  }
0x5b: {  	_ =	shalt  }
0x5c: {  	_ =	shalt  }
0x5d: {  	_ =	shalt  }
0x5e: {  	_ =	shalt  }
0x5f: {  	_ =	shalt  }
0x60: {  	_ =	shalt  }
0x61: {  	_ =	shalt  }
0x62: {  	_ =	shalt  }
0x63: {  	_ =	shalt  }
0x64: {  	_ =	shalt  }
0x65: {  	_ =	shalt  }
0x66: {  	_ =	shalt  }
0x67: {  	_ =	shalt  }
0x68: {  	_ =	shalt  }
0x69: {  	_ =	shalt  }
0x6a: {  	_ =	shalt  }
0x6b: {  	_ =	shalt  }
0x6c: {  	_ =	shalt  }
0x6d: {  	_ =	shalt  }
0x6e: {  	_ =	shalt  }
0x6f: {  	_ =	shalt  }
0x70: {  	_ =	shalt  }
0x71: {  	_ =	shalt  }
0x72: {  	_ =	shalt  }
0x73: {  	_ =	shalt  }
0x74: {  	_ =	shalt  }
0x75: {  	_ =	shalt  }
0x76: {  	_ =	shalt  }
0x77: {  	_ =	shalt  }
0x78: {  	_ =	shalt  }
0x79: {  	_ =	shalt  }
0x7a: {  	_ =	shalt  }
0x7b: {  	_ =	shalt  }
0x7c: {  	_ =	shalt  }
0x7d: {  	_ =	shalt  }
0x7e: {  	_ =	shalt  }
0x7f: {  	_ =	shalt  }
0x80: {  	_ =	shalt  }
0x81: {  	_ =	shalt  }
0x82: {  	_ =	shalt  }
0x83: {  	_ =	shalt  }
0x84: {  	_ =	shalt  }
0x85: {  	_ =	shalt  }
0x86: {  	_ =	shalt  }
0x87: {  	_ =	shalt  }
.Lfunc_end0:
.L_simem_size_0:
called_computation_lowered:
.L_overlay_start_0:
0x88: {  	s2 =	sld [smem:$0x3FD9]  }
0x89: {  	s3 =	sld [smem:$0x3FFE];
	_ =	sdelay $0x1  }
0x8a: {  	s1 =	srdreg.scid  }
0x8b: {  	s0 =	sand.u32 $0x1, s1  }
0x8c: {  	s17 =	sshll.u32 s0, $0xA;
	s2 =	sadd.s32 s3, s2  }
0x8d: {  	s2 =	sadd.s32 s2, s17  }
0x8e: {  	[smem:$0x3FC5] =	sst s2  }
0x8f: {  	_ = 	snop  }
0x90: {  	s2 =	sld [smem:$0x3FC9]  }
0x91: {  	s18 =	sld [smem:$0x3FC8]  }
0x92: {  	s4 =	sld [smem:$0x3FC7];
	(tm) =	ssettm $0x1  }
0x93: {  	s5 =	sld [smem:$0x3FFB];
	_ =	sdelay $0x3  }
0x94: {  	_ =	strace s5  }
0x95: {  	s5 =	sld [smem:$0x3FFC];
	_ =	sdelay $0x3  }
0x96: {  	_ =	strace s5  }
0x97: {  	s5 =	sld [smem:$0x3FFD];
	_ =	sdelay $0x3  }
0x98: {  	_ =	strace s5  }
0x99: {  	_ =	strace $0x8FFFFFFF  }
0x9a: {  	s19 =	sld [smem:$0x3FDB];
	_ =	sdelay $0x1  }
0x9b: {  	s6 =	simm.s32 $_scs_section_size  }
0x9c: {  	s7 =	simm.s32 $_size__tile_overlayer_lowered;
	s8 =	simm.s32 $_tile_overlayer_lowered  }
0x9d: {  	s22 =	simm.s32 $0x1BFF;
	s21 =	sshll.u32 s8, $0x1;
	s5 =	sadd.s32 s6, s19  }
0x9e: {  	s9 =	simm.s32 $0x0;
	s20 =	sshll.u32 s7, $0x1;
	s7 =	sadd.s32 s21, s5  }
0x9f: {  	[timem:s9], [sflag:s22] =	dma.local [hbm:s7], s20  }
0xa0: {  	_ =	swait.ge [sflag:s22], s20  }
0xa1: {  	s6 =	ssub.s32 $0x0, s20;
	[sflag:s22] =	ssyncset.done $0x0  }
0xa2: {  	[sflag:s22] =	ssyncadd.s32 s6;
	_ =	sdelay $0x1  }
0xa3: {  	s23 =	simm.s32 $0x1B8B  }
0xa4: {  	_ =	swait.ge [sflag:s23], $0x1  }
0xa5: {  	[sflag:s23] =	ssyncset.done $0x0  }
0xa6: {  	s25 =	simm.s32 $0x1B8E;
	s24 =	sld [smem:$0x3FFE];
	[sflag:s23] =	ssyncadd.s32 $0xFFFFFFFF  }
0xa7: {  	s26 =	simm.s32 $execute0_lowered;
	[smem:$0x3FD2] =	sst s25  }
0xa8: {  	s7 =	sshll.u32 s26, $0x1;
	_ =	strace $0x80000046;
	[dreg:$0x1] =	wrdreg $0xFFFFFFFF  }
0xa9: {  	s28 =	simm.s32 $_size_execute0_lowered;
	s5 =	sadd.s32 s5, s7;
	[dreg:$0x0] =	wrdreg $0x0  }
0xaa: {  	s7 =	sshll.u32 s28, $0x1;
	[dreg:$0x2] =	wrdreg s5  }
0xab: {  	[dreg:$0x3] =	wrdreg s7  }
0xac: {  	[dreg:$0x4] =	wrdreg $0xC0  }
0xad: {  	_ =	task [dreg:s9], $0x5FFFF  }
0xae: {  	[dreg:$0x1] =	wrdreg $0xFFFFFFFF  }
0xaf: {  	[dreg:$0x0] =	wrdreg $0x60  }
0xb0: {  	[dreg:$0x2] =	wrdreg s2  }
0xb1: {  	[dreg:$0x3] =	wrdreg s18  }
0xb2: {  	[dreg:$0x4] =	wrdreg s4  }
0xb3: {  	[dreg:$0x5] =	wrdreg s24  }
0xb4: {  	[dreg:$0x6] =	wrdreg $0x9  }
0xb5: {  	_ =	task.clear_ibuf [dreg:s9], $0x7FFFF;
	_ =	strace $0x90000046  }
0xb6: {  	s29 =	simm.s32 $0x9;
	_ =	strace $0x80000048  }
0xb7: {  	_ =	swait.ge [sflag:s29], $0x1  }
0xb8: {  	[sflag:s29] =	ssyncadd.s32 $0xFFFFFFFF  }
0xb9: {  	_ =	strace $0x90000048  }
0xba: {  	_ =	sfence  }
0xbb: {  	s30 =	sld [smem:$0x0];
	_ =	sdelay $0x2  }
0xbc: {  	s31 =	sshll.u32 s1, $0xD;
	s1 =	sshrl.u32 s1, $0x2  }
0xbd: {  	s3 =	sand.u32 $0x4000, s31;
	s1 =	sadd.s32 s1, s30  }
0xbe: {  	s0 =	sor.u32 s3, s0;
	s1 =	sshll.u32 s1, $0x11  }
0xbf: {  	s0 =	sor.u32 s1, s0  }
0xc0: {  	s0 =	sadd.s32 $0x8F2B, s0  }
0xc1: {  	[sflag:s0] =	ssyncadd.remote.s32 $0x1  }
0xc2: {  	_ =	sfence.sel $0xFFFF  }
0xc3: {  	[dreg:$0x0] =	wrdreg $0xFFFFFFFF;
	(pc) =	sbr.abs _section_cstart, $3  }
0xc4: {  	[dreg:$0x1] =	wrdreg $0xFFFFFFFF  }
0xc5: {  	_ =	task.clear_ibuf [dreg:s9], $0x2FFFF;
	_ =	strace $0x9FFFFFFF  }
0xc6: {  	(tm) =	ssettm $0x7FFFFFFF  }
0xc7: {  	_ =	shalt  }
tec
execute0_lowered:
.L_overlay_start_1:
0x0: {  	(tag) =	ssettag $0x1  }
0x1: {  	s0 =	rddreg [dreg:$0x0]  }
0x2: {  	s1 =	srdreg.scid;
	s2 =	rddreg [dreg:$0x1]  }
0x3: {  	s4 =	rddreg [dreg:$0x2];
	s8 =	stileid.u32  }
0x4: {  	s6 =	rddreg [dreg:$0x3];
	s5 =	simm.s32 $0x0;
	s28 =	simm.s32 $0x3000  }
0x5: {  	s29 =	simm.s32 $0x5010;
	s30 =	simm.s32 $0x1;
	s1 =	sand.u32 $0x1, s1  }
0x6: {  	s31 =	simm.s32 $0x6000;
	[smem:$0x7FF] =	sst s5;
	s3 =	sshll.u32 s1, $0x4  }
0x7: {  	_ =	strace $0x80000047;
	s1 =	ssub.s32 $0x2, s1;
	s3 =	sor.u32 s8, s3  }
0x8: {  	s8 =	sshll.u32 s8, $0x7;
	s20 =	sshrl.u32 s1, $0x1;
	s7 =	sshrl.u32 s3, $0x3  }
0x9: {  	s8 =	sand.u32 $0x380, s8;
	s3 =	smul.u32 $0x30D40, s3;
	s1 =	ssub.s32 s1, s20  }
0xa: {  	s7 =	smul.u32 $0xC4000, s7;
	s20 =	smax.u32 s1, $0x1;
	s1 =	simm.s32 $0x3800  }
0xb: {  	s9 =	sshrl.u32 s3, $0x3;
	s15 =	sadd.s32 $0x1770, s3;
	s16 =	sadd.s32 $0x1F40, s3  }
0xc: {  	s17 =	sadd.s32 $0x2710, s3;
	s18 =	sadd.s32 $0x2EE0, s3;
	s3 =	simm.s32 $0x1800  }
0xd: {  	s7 =	sor.u32 s8, s7;
	s21 =	sadd.s32 s0, s9;
	s22 =	sadd.s32 s2, s9  }
0xe: {  	s23 =	sadd.s32 s4, s9;
	s24 =	sadd.s32 $0xFA, s9;
	[dreg:$0x5] =	wrdreg s21  }
0xf: {  	s26 =	sadd.s32 $0x1F4, s9;
	s7 =	sshrl.u32 s7, $0x3;
	[dreg:$0x6] =	wrdreg s22  }
.Ltmp0:
0x10: {  	[dreg:$0x7] =	wrdreg s23;
	s25 =	sadd.s32 s0, s24;
	(pc) =	sbr.rel .LBB2_1-.Ltmp0, $4  }
0x11: {  	s10 =	sadd.s32 s2, s24;
	s11 =	sadd.s32 s4, s24;
	s12 =	sadd.s32 s0, s26  }
0x12: {  	s13 =	sadd.s32 s2, s26;
	s14 =	sadd.s32 s4, s26;
	s26 =	simm.s32 $0x1000  }
0x13: {  	s21 =	simm.s32 $0x5810;
	s24 =	simm.s32 $0x2;
	s6 =	sadd.s32 s7, s6  }
0x14: {  	v0 =	vimm.f32 $0.0e+00;
	v1 =	vimm.s32 $0x187FF;
	vm0 =	vcmask $0x3F3C;
	[dreg:$0x8] =	wrdreg s25;
	s25 =	simm.s32 $0x0;
	s19 =	sadd.s32 $0x600, s6  }
.LBB2_14:
0x15: {  	s25 =	sadd.s32 $0x1, s25  }
0x16: {  	p0 =	sne.s32 s25, s20  }
.Ltmp1:
0x17: {  	s6 =	simm.s32 $0x80;
	s7 =	simm.s32 $0x400;
	(pc) =	sbr.rel @!p0 .LBB2_15-.Ltmp1, $4  }
0x18: {  	[hbm4b:s19+s6] =	stream.strided.scatter [tilespmem:s31], [sflag:$0x2], $0x18800, s7, s6, $0x38;
	[tilespmem:$0x1E800] =	vst v63  }
0x19: {  	_ =	swait.ge [sflag:s24], $0x18800  }
0x1a: {  	[sflag:s24] =	ssyncset.done $0x0  }
0x1b: {  	[sflag:s24] =	ssyncadd.s32 $0xFFFE7800  }
.LBB2_1:
0x1c: {  	s6 =	simm.s32 $0x6020  }
0x1d: {  	[tilespmem:s6+$0xFFFFFFE0] =	vst v0  }
0x1e: {  	[tilespmem:s6+$0x10] =	vst v0  }
0x1f: {  	s7 =	simm.s32 $0x0;
	[tilespmem:s6+$0x0] =	vst v0  }
.LBB2_2:
0x20: {  	s7 =	sadd.s32 $0x40, s7  }
0x21: {  	[tilespmem:s6+$0xFFFFFFF0] =	vst v0;
	s6 =	sadd.s32 $0x40, s6;
	p0 =	slt.u32 s7, $0x187C0  }
.Ltmp2:
0x22: {  	[tilespmem:s6+$0xFFFFFFE0] =	vst v0;
	(pc) =	sbr.rel @p0 .LBB2_2-.Ltmp2, $3  }
0x23: {  	_ =	sdelay $0x1  }
0x24: {  	[tilespmem:s6+$0x10] =	vst v0  }
0x25: {  	[tilespmem:s6+$0x0] =	vst v0  }
0x26: {  	[tilespmem:s6+$0xFFFFFFF0] =	vst v0  }
0x27: {  	[tilespmem:$0x4000] =	vst v1  }
0x28: {  	[tilespmem:$0x47E0] =	vst v1  }
0x29: {  	[tilespmem:$0x4800] =	vst v1  }
0x2a: {  	[tilespmem:$0x4FE0] =	vst v1  }
0x2b: {  	[tilespmem:$0x5000] =	vst v1  }
0x2c: {  	[tilespmem:$0x57E0] =	vst v1  }
0x2d: {  	[tilespmem:$0x5800] =	vst v1  }
0x2e: {  	s22 =	simm.s32 $0x0;
	[tilespmem:$0x5FE0] =	vst v1;
	s6 =	rddreg [dreg:$0x5]  }
0x2f: {  	[tilespmem:s22], [sflag:$0x1] =	stream.linear.gather [hbm4b:s6+s22], $0x7D0, $0x38;
	[tilespmem:$0x1E800] =	vst v63  }
0x30: {  	s7 =	simm.s32 $0x2000;
	s8 =	rddreg [dreg:$0x6]  }
0x31: {  	[tilespmem:s7], [sflag:$0x1] =	stream.linear.gather [hbm4b:s8+s22], $0x7D0, $0x38;
	[tilespmem:$0x1E800] =	vst v63  }
0x32: {  	s23 =	simm.s32 $0x4010;
	s9 =	rddreg [dreg:$0x7]  }
0x33: {  	[tilespmem:s23], [sflag:$0x1] =	stream.linear.gather [hbm4b:s9+s22], $0x7D0, $0x38;
	[tilespmem:$0x1E800] =	vst v63  }
0x34: {  	s7 =	rddreg [dreg:$0x8];
	s8 =	simm.s32 $0x800  }
0x35: {  	[tilespmem:s8], [sflag:$0x1] =	stream.linear.gather [hbm4b:s7+s22], $0x7D0, $0x38;
	[tilespmem:$0x1E800] =	vst v63  }
0x36: {  	s9 =	simm.s32 $0x2800  }
0x37: {  	[tilespmem:s9], [sflag:$0x1] =	stream.linear.gather [hbm4b:s10+s22], $0x7D0, $0x38;
	[tilespmem:$0x1E800] =	vst v63  }
0x38: {  	s23 =	simm.s32 $0x4810  }
0x39: {  	[tilespmem:s23], [sflag:$0x1] =	stream.linear.gather [hbm4b:s11+s22], $0x7D0, $0x38;
	[tilespmem:$0x1E800] =	vst v63  }
0x3a: {  	_ = 	snop  }
0x3b: {  	[tilespmem:s26], [sflag:$0x1] =	stream.linear.gather [hbm4b:s12+s22], $0x7D0, $0x38;
	[tilespmem:$0x1E800] =	vst v63  }
0x3c: {  	_ = 	snop  }
0x3d: {  	[tilespmem:s28], [sflag:$0x1] =	stream.linear.gather [hbm4b:s13+s22], $0x7D0, $0x38;
	[tilespmem:$0x1E800] =	vst v63  }
0x3e: {  	_ = 	snop  }
0x3f: {  	[tilespmem:s29], [sflag:$0x1] =	stream.linear.gather [hbm4b:s14+s22], $0x7D0, $0x38;
	[tilespmem:$0x1E800] =	vst v63  }
.LBB2_4:
0x40: {  	_ =	swait.ge [sflag:s30], $0x7D0  }
0x41: {  	[sflag:s30] =	ssyncset.done $0x0  }
0x42: {  	[sflag:s30] =	ssyncadd.s32 $0xFFFFF830  }
0x43: {  	_ =	swait.ge [sflag:s30], $0x7D0  }
0x44: {  	[sflag:s30] =	ssyncset.done $0x0  }
0x45: {  	[sflag:s30] =	ssyncadd.s32 $0xFFFFF830  }
0x46: {  	_ =	swait.ge [sflag:s30], $0x7D0  }
0x47: {  	[sflag:s30] =	ssyncset.done $0x0  }
0x48: {  	s6 =	simm.s32 $0x10;
	[sflag:s30] =	ssyncadd.s32 $0xFFFFF830  }
0x49: {  	s7 =	simm.s32 $0x2010;
	v2 =	vld [tilespmem:s6+$0x0]  }
0x4a: {  	v3 =	vld [tilespmem:s7+$0x0];
	_ =	sdelay $0x3  }
0x4b: {  	v4 =	vld [tilespmem:s7+$0xFFFFFFF0]  }
0x4c: {  	v5 =	vld [tilespmem:s6+$0xFFFFFFF0];
	v2 =	vsub.f32 v2, v3;
	_ =	sdelay $0x1  }
0x4d: {  	v6 =	vmul.f32 v2, v2;
	_ =	sdelay $0x1  }
0x4e: {  	s8 =	simm.s32 $0x4011;
	(xrf2) =	vadd.scan.msk.f32 $0xffff, v6  }
0x4f: {  	s9 =	simm.s32 $0x30;
	v7 =	vld [tilespmem:s8+$0x10];
	v3 =	vsub.f32 v5, v4  }
0x50: {  	s23 =	simm.s32 $0x2030;
	v8 =	vld [tilespmem:s9+$0x0]  }
0x51: {  	v9 =	vld [tilespmem:s23+$0x0];
	v4 =	vmul.f32 v3, v3  }
0x52: {  	v5 =	vld [tilespmem:s8+$0xE]  }
0x53: {  	v2 =	vld [tilespmem:s8+$0xF];
	(xrf2) =	vadd.scan.msk.f32 $0xffff, v4;
	_ =	sdelay $0x1  }
0x54: {  	v10 =	vld [tilespmem:s23+$0xFFFFFFF0]  }
0x55: {  	v11 =	vld [tilespmem:s9+$0xFFFFFFF0]  }
0x56: {  	v12 =	vsub.f32 v8, v9  }
0x57: {  	v9 =	vld [tilespmem:s8+$0x0];
	vm1 =	vne.s32 v2, v7;
	vm3 =	vne.s32 v2, v5;
	v13, _, _ =	vpop (xrf2)  }
0x58: {  	v3 =	vld [tilespmem:s8+$0xFFFFFFFF];
	v5 =	vmul.f32 v12, v12;
	vm2 =	vmor vm1, vm0;
	v12 =	vsub.f32 v13, v6  }
0x59: {  	s6 =	simm.s32 $0x4031;
	v8 =	vld [tilespmem:s8+$0xFFFFFFFE];
	vm1 =	vmor vm2, vm3  }
0x5a: {  	v10 =	vsub.f32 v11, v10;
	v11 =	vld [tilespmem:s6+$0x10]  }
0x5b: {  	(xrf2) =	vadd.scan.msk.f32 $0xffff, v5;
	v6 =	vld [tilespmem:s6+$0xF]  }
0x5c: {  	s7 =	simm.s32 $0x20;
	v10 =	vmul.f32 v10, v10;
	s8 =	simm.s32 $0x50;
	v7 =	vld [tilespmem:s6+$0xE];
	v13 =	vnsel vm2, $0x0, v13;
	v14 =	vnsel vm3, $0x0, v12;
	v12, _, _ =	vpop (xrf2)  }
.LBB2_5:
0x5d: {  	v15 =	vld [tilespmem:s8+$0x0];
	s23 =	sadd.s32 $0x20, s23;
	v16 =	vsub.f32 v12, v4;
	vm2 =	vne.s32 v3, v9;
	v9 =	vsub.f32 v13, v14  }
0x5e: {  	s7 =	sadd.s32 $0x20, s7;
	vm3 =	vne.s32 v3, v8;
	v13 =	vld [tilespmem:s23+$0x0];
	(xrf2) =	vadd.scan.msk.f32 $0xffff, v10;
	vm2 =	vmor vm2, vm0;
	v4 =	vmov v10  }
0x5f: {  	p0 =	slt.u32 s7, $0x7A0;
	v8 =	vnsel vm2, $0x0, v12;
	v10 =	vnsel vm3, $0x0, v16;
	vm2 =	vmor vm2, vm3;
	[tilespmem:v2+s31+$0x0] =	vst.idx.add.f32.msk vm1, v9  }
0x60: {  	v12 =	vld [tilespmem:s23+$0xFFFFFFF0];
	v10 =	vsub.f32 v8, v10;
	v2 =	vmov v6  }
0x61: {  	v6 =	vld [tilespmem:s8+$0xFFFFFFF0]  }
0x62: {  	v14 =	vld [tilespmem:s6+$0xFFFFFFFF]  }
0x63: {  	vm1 =	vne.s32 v2, v11;
	v15 =	vsub.f32 v15, v13;
	v9 =	vld [tilespmem:s6+$0x0]  }
.Ltmp3:
0x64: {  	vm4 =	vne.s32 v2, v7;
	vm3 =	vmor vm1, vm0;
	v8 =	vld [tilespmem:s6+$0xFFFFFFFE];
	(pc) =	sbr.rel @p0 .LBB2_5-.Ltmp3, $4  }
0x65: {  	vm1 =	vmor vm3, vm4;
	s6 =	sadd.s32 $0x20, s6;
	v11 =	vmul.f32 v15, v15;
	v13, _, _ =	vpop (xrf2);
	[tilespmem:v3+s31+$0x0] =	vst.idx.add.f32.msk vm2, v10  }
0x66: {  	v10 =	vsub.f32 v6, v12;
	v7 =	vld [tilespmem:s6+$0xE];
	v15 =	vsub.f32 v13, v5  }
0x67: {  	v6 =	vld [tilespmem:s6+$0xF];
	(xrf2) =	vadd.scan.msk.f32 $0xffff, v11;
	v3 =	vmov v14;
	v5 =	vmov v11  }
0x68: {  	s8 =	sadd.s32 $0x20, s8;
	v13 =	vnsel vm3, $0x0, v13;
	v10 =	vmul.f32 v10, v10;
	v11 =	vld [tilespmem:s6+$0x10];
	v14 =	vnsel vm4, $0x0, v15;
	v12, _, _ =	vpop (xrf2)  }
0x69: {  	_ = 	snop  }
0x6a: {  	(xrf2) =	vadd.scan.msk.f32 $0xffff, v10;
	_ =	sdelay $0x1  }
0x6b: {  	v15 =	vld [tilespmem:s6+$0xFFFFFFFF]  }
0x6c: {  	v16 =	vld [tilespmem:s6+$0x0]  }
0x6d: {  	v17 =	vld [tilespmem:s6+$0xFFFFFFFE]  }
0x6e: {  	vm2 =	vne.s32 v3, v9  }
0x6f: {  	vm3 =	vne.s32 v3, v8;
	vm2 =	vmor vm2, vm0  }
0x70: {  	v4 =	vsub.f32 v12, v4;
	vm5 =	vmor vm2, vm3;
	vm4 =	vne.s32 v6, v11  }
0x71: {  	vm6 =	vne.s32 v6, v7;
	vm4 =	vmor vm4, vm0;
	vm7 =	vne.s32 v15, v16  }
0x72: {  	vm9 =	vne.s32 v15, v17;
	vm8 =	vmor vm4, vm6;
	vm7 =	vmor vm7, vm0;
	v7, _, _ =	vpop (xrf2)  }
0x73: {  	v8 =	vnsel vm2, $0x0, v12;
	vm2 =	vmor vm7, vm9;
	v5 =	vsub.f32 v7, v5;
	v9, _, _ =	vpop (xrf2)  }
0x74: {  	v4 =	vnsel vm3, $0x0, v4;
	v11 =	vsub.f32 v13, v14;
	v10 =	vsub.f32 v9, v10  }
0x75: {  	v4 =	vsub.f32 v8, v4;
	v7 =	vnsel vm4, $0x0, v7;
	v5 =	vnsel vm6, $0x0, v5  }
0x76: {  	[tilespmem:v2+s31+$0x0] =	vst.idx.add.f32.msk vm1, v11;
	v2 =	vnsel vm7, $0x0, v9;
	v5 =	vsub.f32 v7, v5;
	v7 =	vnsel vm9, $0x0, v10  }
0x77: {  	[tilespmem:v3+s31+$0x0] =	vst.idx.add.f32.msk vm5, v4;
	v2 =	vsub.f32 v2, v7  }
0x78: {  	[tilespmem:v6+s31+$0x0] =	vst.idx.add.f32.msk vm8, v5  }
0x79: {  	[tilespmem:v15+s31+$0x0] =	vst.idx.add.f32.msk vm2, v2  }
0x7a: {  	v2 =	vld [tilespmem:$0x7C0]  }
0x7b: {  	v3 =	vld [tilespmem:$0x27C0];
	_ =	sdelay $0x4  }
0x7c: {  	v2 =	vsub.f32 v2, v3;
	_ =	sdelay $0x1  }
0x7d: {  	v2 =	vmul.f32 v2, v2;
	_ =	sdelay $0x1  }
0x7e: {  	(xrf2) =	vadd.scan.msk.f32 $0xffff, v2;
	_ =	sdelay $0x1  }
0x7f: {  	v4 =	vld [tilespmem:$0x47D1]  }
0x80: {  	v3 =	vld [tilespmem:$0x47D0]  }
0x81: {  	v5 =	vld [tilespmem:$0x47CF];
	_ =	sdelay $0x3  }
0x82: {  	vm1 =	vne.s32 v3, v4  }
0x83: {  	vm2 =	vne.s32 v3, v5;
	vm1 =	vmor vm1, vm0  }
0x84: {  	vm3 =	vmor vm1, vm2;
	v4, _, _ =	vpop (xrf2)  }
0x85: {  	v2 =	vsub.f32 v4, v2  }
0x86: {  	s23 =	smul.u32 $0x1F40, s22  }
0x87: {  	v4 =	vnsel vm1, $0x0, v4;
	v2 =	vnsel vm2, $0x0, v2  }
0x88: {  	s7 =	sadd.s32 s23, s15;
	v2 =	vsub.f32 v4, v2  }
0x89: {  	s6 =	sshrl.u32 s7, $0x3  }
0x8a: {  	s7 =	sadd.s32 s0, s6;
	[tilespmem:v3+s31+$0x0] =	vst.idx.add.f32.msk vm3, v2  }
0x8b: {  	[tilespmem:s3], [sflag:$0x1] =	stream.linear.gather [hbm4b:s7+s5], $0x7D0, $0x38;
	[tilespmem:$0x1E800] =	vst v63  }
0x8c: {  	s8 =	sadd.s32 s2, s6  }
0x8d: {  	[tilespmem:s1], [sflag:$0x1] =	stream.linear.gather [hbm4b:s8+s5], $0x7D0, $0x38;
	[tilespmem:$0x1E800] =	vst v63  }
0x8e: {  	s6 =	sadd.s32 s4, s6  }
0x8f: {  	[tilespmem:s21], [sflag:$0x1] =	stream.linear.gather [hbm4b:s6+s5], $0x7D0, $0x38;
	[tilespmem:$0x1E800] =	vst v63  }
0x90: {  	_ =	swait.ge [sflag:s30], $0x7D0  }
0x91: {  	[sflag:s30] =	ssyncset.done $0x0  }
0x92: {  	[sflag:s30] =	ssyncadd.s32 $0xFFFFF830  }
0x93: {  	_ =	swait.ge [sflag:s30], $0x7D0  }
0x94: {  	[sflag:s30] =	ssyncset.done $0x0  }
0x95: {  	[sflag:s30] =	ssyncadd.s32 $0xFFFFF830  }
0x96: {  	_ =	swait.ge [sflag:s30], $0x7D0  }
0x97: {  	[sflag:s30] =	ssyncset.done $0x0  }
0x98: {  	s9 =	simm.s32 $0x810;
	[sflag:s30] =	ssyncadd.s32 $0xFFFFF830  }
0x99: {  	s8 =	simm.s32 $0x2810;
	v2 =	vld [tilespmem:s9+$0x0]  }
0x9a: {  	v3 =	vld [tilespmem:s8+$0x0];
	_ =	sdelay $0x3  }
0x9b: {  	v4 =	vld [tilespmem:s8+$0xFFFFFFF0]  }
0x9c: {  	v5 =	vld [tilespmem:s9+$0xFFFFFFF0];
	v2 =	vsub.f32 v2, v3;
	_ =	sdelay $0x1  }
0x9d: {  	v6 =	vmul.f32 v2, v2;
	_ =	sdelay $0x1  }
0x9e: {  	s6 =	simm.s32 $0x2830;
	(xrf2) =	vadd.scan.msk.f32 $0xffff, v6  }
0x9f: {  	s9 =	simm.s32 $0x4811;
	v9 =	vld [tilespmem:s6+$0x0];
	v3 =	vsub.f32 v5, v4  }
0xa0: {  	s8 =	simm.s32 $0x830;
	v7 =	vld [tilespmem:s9+$0x10]  }
0xa1: {  	v8 =	vld [tilespmem:s8+$0x0];
	v4 =	vmul.f32 v3, v3  }
0xa2: {  	v5 =	vld [tilespmem:s9+$0xE]  }
0xa3: {  	v2 =	vld [tilespmem:s9+$0xF];
	(xrf2) =	vadd.scan.msk.f32 $0xffff, v4;
	_ =	sdelay $0x1  }
0xa4: {  	v10 =	vld [tilespmem:s6+$0xFFFFFFF0]  }
0xa5: {  	v11 =	vld [tilespmem:s8+$0xFFFFFFF0]  }
0xa6: {  	v12 =	vsub.f32 v8, v9  }
0xa7: {  	v9 =	vld [tilespmem:s9+$0x0];
	vm1 =	vne.s32 v2, v7;
	vm3 =	vne.s32 v2, v5;
	v13, _, _ =	vpop (xrf2)  }
0xa8: {  	v3 =	vld [tilespmem:s9+$0xFFFFFFFF];
	v5 =	vmul.f32 v12, v12;
	vm2 =	vmor vm1, vm0;
	v12 =	vsub.f32 v13, v6  }
0xa9: {  	s7 =	simm.s32 $0x4831;
	v8 =	vld [tilespmem:s9+$0xFFFFFFFE];
	vm1 =	vmor vm2, vm3  }
0xaa: {  	v10 =	vsub.f32 v11, v10;
	v11 =	vld [tilespmem:s7+$0x10]  }
0xab: {  	(xrf2) =	vadd.scan.msk.f32 $0xffff, v5;
	v6 =	vld [tilespmem:s7+$0xF]  }
0xac: {  	s8 =	simm.s32 $0x20;
	s9 =	simm.s32 $0x850;
	v10 =	vmul.f32 v10, v10;
	v7 =	vld [tilespmem:s7+$0xE];
	v13 =	vnsel vm2, $0x0, v13;
	v14 =	vnsel vm3, $0x0, v12;
	v12, _, _ =	vpop (xrf2)  }
.LBB2_7:
0xad: {  	v15 =	vld [tilespmem:s9+$0x0];
	s6 =	sadd.s32 $0x20, s6;
	v16 =	vsub.f32 v12, v4;
	vm2 =	vne.s32 v3, v9;
	v9 =	vsub.f32 v13, v14  }
0xae: {  	s8 =	sadd.s32 $0x20, s8;
	vm3 =	vne.s32 v3, v8;
	v13 =	vld [tilespmem:s6+$0x0];
	(xrf2) =	vadd.scan.msk.f32 $0xffff, v10;
	vm2 =	vmor vm2, vm0;
	v4 =	vmov v10  }
0xaf: {  	p0 =	slt.u32 s8, $0x7A0;
	v8 =	vnsel vm2, $0x0, v12;
	v10 =	vnsel vm3, $0x0, v16;
	vm2 =	vmor vm2, vm3;
	[tilespmem:v2+s31+$0x0] =	vst.idx.add.f32.msk vm1, v9  }
0xb0: {  	v12 =	vld [tilespmem:s6+$0xFFFFFFF0];
	v10 =	vsub.f32 v8, v10;
	v2 =	vmov v6  }
0xb1: {  	v6 =	vld [tilespmem:s9+$0xFFFFFFF0]  }
0xb2: {  	v14 =	vld [tilespmem:s7+$0xFFFFFFFF]  }
0xb3: {  	vm1 =	vne.s32 v2, v11;
	v15 =	vsub.f32 v15, v13;
	v9 =	vld [tilespmem:s7+$0x0]  }
.Ltmp4:
0xb4: {  	vm4 =	vne.s32 v2, v7;
	vm3 =	vmor vm1, vm0;
	v8 =	vld [tilespmem:s7+$0xFFFFFFFE];
	(pc) =	sbr.rel @p0 .LBB2_7-.Ltmp4, $4  }
0xb5: {  	vm1 =	vmor vm3, vm4;
	s7 =	sadd.s32 $0x20, s7;
	v11 =	vmul.f32 v15, v15;
	v13, _, _ =	vpop (xrf2);
	[tilespmem:v3+s31+$0x0] =	vst.idx.add.f32.msk vm2, v10  }
0xb6: {  	v10 =	vsub.f32 v6, v12;
	v7 =	vld [tilespmem:s7+$0xE];
	v15 =	vsub.f32 v13, v5  }
0xb7: {  	v6 =	vld [tilespmem:s7+$0xF];
	(xrf2) =	vadd.scan.msk.f32 $0xffff, v11;
	v3 =	vmov v14;
	v5 =	vmov v11  }
0xb8: {  	s9 =	sadd.s32 $0x20, s9;
	v13 =	vnsel vm3, $0x0, v13;
	v10 =	vmul.f32 v10, v10;
	v11 =	vld [tilespmem:s7+$0x10];
	v14 =	vnsel vm4, $0x0, v15;
	v12, _, _ =	vpop (xrf2)  }
0xb9: {  	_ = 	snop  }
0xba: {  	(xrf2) =	vadd.scan.msk.f32 $0xffff, v10;
	_ =	sdelay $0x1  }
0xbb: {  	v15 =	vld [tilespmem:s7+$0xFFFFFFFF]  }
0xbc: {  	v16 =	vld [tilespmem:s7+$0x0]  }
0xbd: {  	v17 =	vld [tilespmem:s7+$0xFFFFFFFE]  }
0xbe: {  	vm2 =	vne.s32 v3, v9  }
0xbf: {  	vm3 =	vne.s32 v3, v8;
	vm2 =	vmor vm2, vm0  }
0xc0: {  	v4 =	vsub.f32 v12, v4;
	vm5 =	vmor vm2, vm3;
	vm4 =	vne.s32 v6, v11  }
0xc1: {  	vm6 =	vne.s32 v6, v7;
	vm4 =	vmor vm4, vm0;
	vm7 =	vne.s32 v15, v16  }
0xc2: {  	vm9 =	vne.s32 v15, v17;
	vm8 =	vmor vm4, vm6;
	vm7 =	vmor vm7, vm0;
	v7, _, _ =	vpop (xrf2)  }
0xc3: {  	v8 =	vnsel vm2, $0x0, v12;
	vm2 =	vmor vm7, vm9;
	v5 =	vsub.f32 v7, v5;
	v9, _, _ =	vpop (xrf2)  }
0xc4: {  	v4 =	vnsel vm3, $0x0, v4;
	v11 =	vsub.f32 v13, v14;
	v10 =	vsub.f32 v9, v10  }
0xc5: {  	v4 =	vsub.f32 v8, v4;
	v7 =	vnsel vm4, $0x0, v7;
	v5 =	vnsel vm6, $0x0, v5  }
0xc6: {  	[tilespmem:v2+s31+$0x0] =	vst.idx.add.f32.msk vm1, v11;
	v2 =	vnsel vm7, $0x0, v9;
	v5 =	vsub.f32 v7, v5;
	v7 =	vnsel vm9, $0x0, v10  }
0xc7: {  	[tilespmem:v3+s31+$0x0] =	vst.idx.add.f32.msk vm5, v4;
	v2 =	vsub.f32 v2, v7  }
0xc8: {  	[tilespmem:v6+s31+$0x0] =	vst.idx.add.f32.msk vm8, v5  }
0xc9: {  	[tilespmem:v15+s31+$0x0] =	vst.idx.add.f32.msk vm2, v2  }
0xca: {  	v2 =	vld [tilespmem:$0xFC0]  }
0xcb: {  	v3 =	vld [tilespmem:$0x2FC0];
	_ =	sdelay $0x4  }
0xcc: {  	v2 =	vsub.f32 v2, v3;
	_ =	sdelay $0x1  }
0xcd: {  	v2 =	vmul.f32 v2, v2;
	_ =	sdelay $0x1  }
0xce: {  	(xrf2) =	vadd.scan.msk.f32 $0xffff, v2;
	_ =	sdelay $0x1  }
0xcf: {  	v4 =	vld [tilespmem:$0x4FD1]  }
0xd0: {  	v3 =	vld [tilespmem:$0x4FD0]  }
0xd1: {  	v5 =	vld [tilespmem:$0x4FCF];
	_ =	sdelay $0x3  }
0xd2: {  	vm1 =	vne.s32 v3, v4  }
0xd3: {  	vm2 =	vne.s32 v3, v5;
	vm1 =	vmor vm1, vm0  }
0xd4: {  	vm3 =	vmor vm1, vm2;
	v4, _, _ =	vpop (xrf2)  }
0xd5: {  	v2 =	vsub.f32 v4, v2;
	_ =	sdelay $0x1  }
0xd6: {  	p0 =	seq.s32 s22, $0x18;
	v4 =	vnsel vm1, $0x0, v4;
	v2 =	vnsel vm2, $0x0, v2  }
0xd7: {  	s6 =	sadd.s32 @!p0 s23, s16;
	v2 =	vsub.f32 v4, v2  }
0xd8: {  	s6 =	sshrl.u32 @!p0 s6, $0x3  }
0xd9: {  	s8 =	simm.s32 @!p0 $0x0;
	s7 =	sadd.s32 @!p0 s0, s6;
	[tilespmem:v3+s31+$0x0] =	vst.idx.add.f32.msk vm3, v2  }
0xda: {  	[tilespmem:s8], [sflag:$0x1] =	stream.linear.gather @!p0 [hbm4b:s7+s8], $0x7D0, $0x38;
	[tilespmem:$0x1E800] =	vst v63  }
0xdb: {  	s9 =	simm.s32 @!p0 $0x2000;
	s7 =	sadd.s32 @!p0 s2, s6  }
0xdc: {  	[tilespmem:s9], [sflag:$0x1] =	stream.linear.gather @!p0 [hbm4b:s7+s8], $0x7D0, $0x38;
	[tilespmem:$0x1E800] =	vst v63  }
0xdd: {  	s6 =	sadd.s32 @!p0 s4, s6;
	s7 =	simm.s32 @!p0 $0x4010  }
0xde: {  	[tilespmem:s7], [sflag:$0x1] =	stream.linear.gather @!p0 [hbm4b:s6+s8], $0x7D0, $0x38;
	[tilespmem:$0x1E800] =	vst v63  }
0xdf: {  	_ =	swait.ge [sflag:s30], $0x7D0  }
0xe0: {  	[sflag:s30] =	ssyncset.done $0x0  }
0xe1: {  	[sflag:s30] =	ssyncadd.s32 $0xFFFFF830  }
0xe2: {  	_ =	swait.ge [sflag:s30], $0x7D0  }
0xe3: {  	[sflag:s30] =	ssyncset.done $0x0  }
0xe4: {  	[sflag:s30] =	ssyncadd.s32 $0xFFFFF830  }
0xe5: {  	_ =	swait.ge [sflag:s30], $0x7D0  }
0xe6: {  	[sflag:s30] =	ssyncset.done $0x0  }
0xe7: {  	s9 =	simm.s32 $0x1010;
	[sflag:s30] =	ssyncadd.s32 $0xFFFFF830  }
0xe8: {  	s8 =	simm.s32 $0x3010;
	v2 =	vld [tilespmem:s9+$0x0]  }
0xe9: {  	v3 =	vld [tilespmem:s8+$0x0];
	_ =	sdelay $0x3  }
0xea: {  	v4 =	vld [tilespmem:s8+$0xFFFFFFF0]  }
0xeb: {  	v5 =	vld [tilespmem:s9+$0xFFFFFFF0];
	v2 =	vsub.f32 v2, v3;
	_ =	sdelay $0x1  }
0xec: {  	v6 =	vmul.f32 v2, v2;
	_ =	sdelay $0x1  }
0xed: {  	s7 =	simm.s32 $0x5011;
	(xrf2) =	vadd.scan.msk.f32 $0xffff, v6  }
0xee: {  	s6 =	simm.s32 $0x3030;
	v7 =	vld [tilespmem:s7+$0x10];
	v3 =	vsub.f32 v5, v4  }
0xef: {  	s9 =	simm.s32 $0x1030;
	v9 =	vld [tilespmem:s6+$0x0]  }
0xf0: {  	v8 =	vld [tilespmem:s9+$0x0];
	v4 =	vmul.f32 v3, v3  }
0xf1: {  	v5 =	vld [tilespmem:s7+$0xE]  }
0xf2: {  	v2 =	vld [tilespmem:s7+$0xF];
	(xrf2) =	vadd.scan.msk.f32 $0xffff, v4;
	_ =	sdelay $0x1  }
0xf3: {  	v10 =	vld [tilespmem:s6+$0xFFFFFFF0]  }
0xf4: {  	v11 =	vld [tilespmem:s9+$0xFFFFFFF0]  }
0xf5: {  	v12 =	vsub.f32 v8, v9  }
0xf6: {  	v9 =	vld [tilespmem:s7+$0x0];
	vm1 =	vne.s32 v2, v7;
	vm3 =	vne.s32 v2, v5;
	v13, _, _ =	vpop (xrf2)  }
0xf7: {  	v3 =	vld [tilespmem:s7+$0xFFFFFFFF];
	v5 =	vmul.f32 v12, v12;
	vm2 =	vmor vm1, vm0;
	v12 =	vsub.f32 v13, v6  }
0xf8: {  	v8 =	vld [tilespmem:s7+$0xFFFFFFFE];
	s7 =	simm.s32 $0x5031;
	vm1 =	vmor vm2, vm3  }
0xf9: {  	v10 =	vsub.f32 v11, v10;
	v11 =	vld [tilespmem:s7+$0x10]  }
0xfa: {  	(xrf2) =	vadd.scan.msk.f32 $0xffff, v5;
	v6 =	vld [tilespmem:s7+$0xF]  }
0xfb: {  	s8 =	simm.s32 $0x20;
	s9 =	simm.s32 $0x1050;
	v10 =	vmul.f32 v10, v10;
	v7 =	vld [tilespmem:s7+$0xE];
	v13 =	vnsel vm2, $0x0, v13;
	v14 =	vnsel vm3, $0x0, v12;
	v12, _, _ =	vpop (xrf2)  }
.LBB2_9:
0xfc: {  	v15 =	vld [tilespmem:s9+$0x0];
	s6 =	sadd.s32 $0x20, s6;
	v16 =	vsub.f32 v12, v4;
	vm2 =	vne.s32 v3, v9;
	v9 =	vsub.f32 v13, v14  }
0xfd: {  	s8 =	sadd.s32 $0x20, s8;
	vm3 =	vne.s32 v3, v8;
	v13 =	vld [tilespmem:s6+$0x0];
	(xrf2) =	vadd.scan.msk.f32 $0xffff, v10;
	vm2 =	vmor vm2, vm0;
	v4 =	vmov v10  }
0xfe: {  	p1 =	slt.u32 s8, $0x7A0;
	v8 =	vnsel vm2, $0x0, v12;
	v10 =	vnsel vm3, $0x0, v16;
	vm2 =	vmor vm2, vm3;
	[tilespmem:v2+s31+$0x0] =	vst.idx.add.f32.msk vm1, v9  }
0xff: {  	v12 =	vld [tilespmem:s6+$0xFFFFFFF0];
	v10 =	vsub.f32 v8, v10;
	v2 =	vmov v6  }
0x100: {  	v6 =	vld [tilespmem:s9+$0xFFFFFFF0]  }
0x101: {  	v14 =	vld [tilespmem:s7+$0xFFFFFFFF]  }
0x102: {  	vm1 =	vne.s32 v2, v11;
	v15 =	vsub.f32 v15, v13;
	v9 =	vld [tilespmem:s7+$0x0]  }
.Ltmp5:
0x103: {  	vm4 =	vne.s32 v2, v7;
	vm3 =	vmor vm1, vm0;
	v8 =	vld [tilespmem:s7+$0xFFFFFFFE];
	(pc) =	sbr.rel @p1 .LBB2_9-.Ltmp5, $4  }
0x104: {  	vm1 =	vmor vm3, vm4;
	s7 =	sadd.s32 $0x20, s7;
	v11 =	vmul.f32 v15, v15;
	v13, _, _ =	vpop (xrf2);
	[tilespmem:v3+s31+$0x0] =	vst.idx.add.f32.msk vm2, v10  }
0x105: {  	v10 =	vsub.f32 v6, v12;
	v7 =	vld [tilespmem:s7+$0xE];
	v15 =	vsub.f32 v13, v5  }
0x106: {  	v6 =	vld [tilespmem:s7+$0xF];
	(xrf2) =	vadd.scan.msk.f32 $0xffff, v11;
	v3 =	vmov v14;
	v5 =	vmov v11  }
0x107: {  	s9 =	sadd.s32 $0x20, s9;
	v13 =	vnsel vm3, $0x0, v13;
	v10 =	vmul.f32 v10, v10;
	v11 =	vld [tilespmem:s7+$0x10];
	v14 =	vnsel vm4, $0x0, v15;
	v12, _, _ =	vpop (xrf2)  }
0x108: {  	_ = 	snop  }
0x109: {  	(xrf2) =	vadd.scan.msk.f32 $0xffff, v10;
	_ =	sdelay $0x1  }
0x10a: {  	v15 =	vld [tilespmem:s7+$0xFFFFFFFF]  }
0x10b: {  	v16 =	vld [tilespmem:s7+$0x0]  }
0x10c: {  	v17 =	vld [tilespmem:s7+$0xFFFFFFFE]  }
0x10d: {  	vm2 =	vne.s32 v3, v9  }
0x10e: {  	vm3 =	vne.s32 v3, v8;
	vm2 =	vmor vm2, vm0  }
0x10f: {  	v4 =	vsub.f32 v12, v4;
	vm5 =	vmor vm2, vm3;
	vm4 =	vne.s32 v6, v11  }
0x110: {  	vm6 =	vne.s32 v6, v7;
	vm4 =	vmor vm4, vm0;
	vm7 =	vne.s32 v15, v16  }
0x111: {  	vm9 =	vne.s32 v15, v17;
	vm8 =	vmor vm4, vm6;
	vm7 =	vmor vm7, vm0;
	v7, _, _ =	vpop (xrf2)  }
0x112: {  	v8 =	vnsel vm2, $0x0, v12;
	vm2 =	vmor vm7, vm9;
	v5 =	vsub.f32 v7, v5;
	v9, _, _ =	vpop (xrf2)  }
0x113: {  	v4 =	vnsel vm3, $0x0, v4;
	v11 =	vsub.f32 v13, v14;
	v10 =	vsub.f32 v9, v10  }
0x114: {  	v4 =	vsub.f32 v8, v4;
	v7 =	vnsel vm4, $0x0, v7;
	v5 =	vnsel vm6, $0x0, v5  }
0x115: {  	[tilespmem:v2+s31+$0x0] =	vst.idx.add.f32.msk vm1, v11;
	v2 =	vnsel vm7, $0x0, v9;
	v5 =	vsub.f32 v7, v5;
	v7 =	vnsel vm9, $0x0, v10  }
0x116: {  	[tilespmem:v3+s31+$0x0] =	vst.idx.add.f32.msk vm5, v4;
	v2 =	vsub.f32 v2, v7  }
0x117: {  	[tilespmem:v6+s31+$0x0] =	vst.idx.add.f32.msk vm8, v5  }
0x118: {  	[tilespmem:v15+s31+$0x0] =	vst.idx.add.f32.msk vm2, v2  }
0x119: {  	v2 =	vld [tilespmem:$0x17C0]  }
0x11a: {  	v3 =	vld [tilespmem:$0x37C0];
	_ =	sdelay $0x4  }
0x11b: {  	v2 =	vsub.f32 v2, v3;
	_ =	sdelay $0x1  }
0x11c: {  	v2 =	vmul.f32 v2, v2;
	_ =	sdelay $0x1  }
0x11d: {  	(xrf2) =	vadd.scan.msk.f32 $0xffff, v2;
	_ =	sdelay $0x1  }
0x11e: {  	v4 =	vld [tilespmem:$0x57D1]  }
0x11f: {  	v3 =	vld [tilespmem:$0x57D0]  }
0x120: {  	v5 =	vld [tilespmem:$0x57CF];
	_ =	sdelay $0x3  }
0x121: {  	vm1 =	vne.s32 v3, v4  }
0x122: {  	vm2 =	vne.s32 v3, v5;
	vm1 =	vmor vm1, vm0  }
0x123: {  	vm3 =	vmor vm1, vm2;
	v4, _, _ =	vpop (xrf2)  }
0x124: {  	v2 =	vsub.f32 v4, v2;
	_ =	sdelay $0x1  }
0x125: {  	v4 =	vnsel vm1, $0x0, v4;
	v2 =	vnsel vm2, $0x0, v2  }
0x126: {  	s6 =	sadd.s32 @!p0 s23, s17;
	v2 =	vsub.f32 v4, v2  }
0x127: {  	s6 =	sshrl.u32 @!p0 s6, $0x3  }
0x128: {  	s8 =	simm.s32 @!p0 $0x0;
	s9 =	simm.s32 @!p0 $0x800;
	s7 =	sadd.s32 @!p0 s0, s6;
	[tilespmem:v3+s31+$0x0] =	vst.idx.add.f32.msk vm3, v2  }
0x129: {  	[tilespmem:s9], [sflag:$0x1] =	stream.linear.gather @!p0 [hbm4b:s7+s8], $0x7D0, $0x38;
	[tilespmem:$0x1E800] =	vst v63  }
0x12a: {  	s7 =	sadd.s32 @!p0 s2, s6;
	s9 =	simm.s32 @!p0 $0x2800  }
0x12b: {  	[tilespmem:s9], [sflag:$0x1] =	stream.linear.gather @!p0 [hbm4b:s7+s8], $0x7D0, $0x38;
	[tilespmem:$0x1E800] =	vst v63  }
0x12c: {  	s6 =	sadd.s32 @!p0 s4, s6;
	s7 =	simm.s32 @!p0 $0x4810  }
0x12d: {  	[tilespmem:s7], [sflag:$0x1] =	stream.linear.gather @!p0 [hbm4b:s6+s8], $0x7D0, $0x38;
	[tilespmem:$0x1E800] =	vst v63  }
0x12e: {  	_ =	swait.ge [sflag:s30], $0x7D0  }
0x12f: {  	[sflag:s30] =	ssyncset.done $0x0  }
0x130: {  	[sflag:s30] =	ssyncadd.s32 $0xFFFFF830  }
0x131: {  	_ =	swait.ge [sflag:s30], $0x7D0  }
0x132: {  	[sflag:s30] =	ssyncset.done $0x0  }
0x133: {  	[sflag:s30] =	ssyncadd.s32 $0xFFFFF830  }
0x134: {  	_ =	swait.ge [sflag:s30], $0x7D0  }
0x135: {  	[sflag:s30] =	ssyncset.done $0x0  }
0x136: {  	s9 =	simm.s32 $0x1810;
	[sflag:s30] =	ssyncadd.s32 $0xFFFFF830  }
0x137: {  	s8 =	simm.s32 $0x3810;
	v2 =	vld [tilespmem:s9+$0x0]  }
0x138: {  	v3 =	vld [tilespmem:s8+$0x0];
	_ =	sdelay $0x3  }
0x139: {  	v4 =	vld [tilespmem:s8+$0xFFFFFFF0]  }
0x13a: {  	v5 =	vld [tilespmem:s9+$0xFFFFFFF0];
	v2 =	vsub.f32 v2, v3;
	_ =	sdelay $0x1  }
0x13b: {  	v6 =	vmul.f32 v2, v2;
	_ =	sdelay $0x1  }
0x13c: {  	s7 =	simm.s32 $0x5811;
	(xrf2) =	vadd.scan.msk.f32 $0xffff, v6  }
0x13d: {  	s6 =	simm.s32 $0x3830;
	v7 =	vld [tilespmem:s7+$0x10];
	v3 =	vsub.f32 v5, v4  }
0x13e: {  	s9 =	simm.s32 $0x1830;
	v9 =	vld [tilespmem:s6+$0x0]  }
0x13f: {  	v8 =	vld [tilespmem:s9+$0x0];
	v4 =	vmul.f32 v3, v3  }
0x140: {  	v5 =	vld [tilespmem:s7+$0xE]  }
0x141: {  	v2 =	vld [tilespmem:s7+$0xF];
	(xrf2) =	vadd.scan.msk.f32 $0xffff, v4;
	_ =	sdelay $0x1  }
0x142: {  	v10 =	vld [tilespmem:s6+$0xFFFFFFF0]  }
0x143: {  	v11 =	vld [tilespmem:s9+$0xFFFFFFF0]  }
0x144: {  	v12 =	vsub.f32 v8, v9  }
0x145: {  	v9 =	vld [tilespmem:s7+$0x0];
	vm1 =	vne.s32 v2, v7;
	vm3 =	vne.s32 v2, v5;
	v13, _, _ =	vpop (xrf2)  }
0x146: {  	v3 =	vld [tilespmem:s7+$0xFFFFFFFF];
	v5 =	vmul.f32 v12, v12;
	vm2 =	vmor vm1, vm0;
	v12 =	vsub.f32 v13, v6  }
0x147: {  	v8 =	vld [tilespmem:s7+$0xFFFFFFFE];
	s7 =	simm.s32 $0x5831;
	vm1 =	vmor vm2, vm3  }
0x148: {  	v10 =	vsub.f32 v11, v10;
	v11 =	vld [tilespmem:s7+$0x10]  }
0x149: {  	(xrf2) =	vadd.scan.msk.f32 $0xffff, v5;
	v6 =	vld [tilespmem:s7+$0xF]  }
0x14a: {  	s8 =	simm.s32 $0x20;
	s9 =	simm.s32 $0x1850;
	v10 =	vmul.f32 v10, v10;
	v7 =	vld [tilespmem:s7+$0xE];
	v13 =	vnsel vm2, $0x0, v13;
	v14 =	vnsel vm3, $0x0, v12;
	v12, _, _ =	vpop (xrf2)  }
.LBB2_11:
0x14b: {  	v15 =	vld [tilespmem:s9+$0x0];
	s6 =	sadd.s32 $0x20, s6;
	v16 =	vsub.f32 v12, v4;
	vm2 =	vne.s32 v3, v9;
	v9 =	vsub.f32 v13, v14  }
0x14c: {  	s8 =	sadd.s32 $0x20, s8;
	vm3 =	vne.s32 v3, v8;
	v13 =	vld [tilespmem:s6+$0x0];
	(xrf2) =	vadd.scan.msk.f32 $0xffff, v10;
	vm2 =	vmor vm2, vm0;
	v4 =	vmov v10  }
0x14d: {  	p1 =	slt.u32 s8, $0x7A0;
	v8 =	vnsel vm2, $0x0, v12;
	v10 =	vnsel vm3, $0x0, v16;
	vm2 =	vmor vm2, vm3;
	[tilespmem:v2+s31+$0x0] =	vst.idx.add.f32.msk vm1, v9  }
0x14e: {  	v12 =	vld [tilespmem:s6+$0xFFFFFFF0];
	v10 =	vsub.f32 v8, v10;
	v2 =	vmov v6  }
0x14f: {  	v6 =	vld [tilespmem:s9+$0xFFFFFFF0]  }
0x150: {  	v14 =	vld [tilespmem:s7+$0xFFFFFFFF]  }
0x151: {  	vm1 =	vne.s32 v2, v11;
	v15 =	vsub.f32 v15, v13;
	v9 =	vld [tilespmem:s7+$0x0]  }
.Ltmp6:
0x152: {  	vm4 =	vne.s32 v2, v7;
	vm3 =	vmor vm1, vm0;
	v8 =	vld [tilespmem:s7+$0xFFFFFFFE];
	(pc) =	sbr.rel @p1 .LBB2_11-.Ltmp6, $4  }
0x153: {  	vm1 =	vmor vm3, vm4;
	s7 =	sadd.s32 $0x20, s7;
	v11 =	vmul.f32 v15, v15;
	v13, _, _ =	vpop (xrf2);
	[tilespmem:v3+s31+$0x0] =	vst.idx.add.f32.msk vm2, v10  }
0x154: {  	v10 =	vsub.f32 v6, v12;
	v7 =	vld [tilespmem:s7+$0xE];
	v15 =	vsub.f32 v13, v5  }
0x155: {  	v6 =	vld [tilespmem:s7+$0xF];
	(xrf2) =	vadd.scan.msk.f32 $0xffff, v11;
	v3 =	vmov v14;
	v5 =	vmov v11  }
0x156: {  	s9 =	sadd.s32 $0x20, s9;
	v13 =	vnsel vm3, $0x0, v13;
	v10 =	vmul.f32 v10, v10;
	v11 =	vld [tilespmem:s7+$0x10];
	v14 =	vnsel vm4, $0x0, v15;
	v12, _, _ =	vpop (xrf2)  }
0x157: {  	_ = 	snop  }
0x158: {  	(xrf2) =	vadd.scan.msk.f32 $0xffff, v10;
	_ =	sdelay $0x1  }
0x159: {  	v15 =	vld [tilespmem:s7+$0xFFFFFFFF]  }
0x15a: {  	v16 =	vld [tilespmem:s7+$0x0]  }
0x15b: {  	v17 =	vld [tilespmem:s7+$0xFFFFFFFE]  }
0x15c: {  	vm2 =	vne.s32 v3, v9  }
0x15d: {  	vm3 =	vne.s32 v3, v8;
	vm2 =	vmor vm2, vm0  }
0x15e: {  	v4 =	vsub.f32 v12, v4;
	vm5 =	vmor vm2, vm3;
	vm4 =	vne.s32 v6, v11  }
0x15f: {  	vm6 =	vne.s32 v6, v7;
	vm4 =	vmor vm4, vm0;
	vm7 =	vne.s32 v15, v16  }
0x160: {  	vm9 =	vne.s32 v15, v17;
	vm8 =	vmor vm4, vm6;
	vm7 =	vmor vm7, vm0;
	v57, _, _ =	vpop (xrf2)  }
0x161: {  	v58 =	vnsel vm2, $0x0, v12;
	vm2 =	vmor vm7, vm9;
	v5 =	vsub.f32 v57, v5;
	v59, _, _ =	vpop (xrf2)  }
0x162: {  	v60 =	vsub.f32 v13, v14;
	v4 =	vnsel vm3, $0x0, v4;
	v61 =	vsub.f32 v59, v10  }
0x163: {  	v4 =	vsub.f32 v58, v4;
	v7 =	vnsel vm4, $0x0, v57;
	v5 =	vnsel vm6, $0x0, v5  }
0x164: {  	[tilespmem:v2+s31+$0x0] =	vst.idx.add.f32.msk vm1, v60;
	v2 =	vnsel vm7, $0x0, v59;
	v5 =	vsub.f32 v7, v5;
	v62 =	vnsel vm9, $0x0, v61  }
0x165: {  	[tilespmem:v3+s31+$0x0] =	vst.idx.add.f32.msk vm5, v4;
	v2 =	vsub.f32 v2, v62  }
0x166: {  	[tilespmem:v6+s31+$0x0] =	vst.idx.add.f32.msk vm8, v5  }
0x167: {  	[tilespmem:v15+s31+$0x0] =	vst.idx.add.f32.msk vm2, v2  }
0x168: {  	v2 =	vld [tilespmem:$0x1FC0]  }
0x169: {  	v3 =	vld [tilespmem:$0x3FC0];
	_ =	sdelay $0x4  }
0x16a: {  	v2 =	vsub.f32 v2, v3;
	_ =	sdelay $0x1  }
0x16b: {  	v2 =	vmul.f32 v2, v2;
	_ =	sdelay $0x1  }
0x16c: {  	(xrf2) =	vadd.scan.msk.f32 $0xffff, v2;
	_ =	sdelay $0x1  }
0x16d: {  	v4 =	vld [tilespmem:$0x5FD1]  }
0x16e: {  	v3 =	vld [tilespmem:$0x5FD0]  }
0x16f: {  	v5 =	vld [tilespmem:$0x5FCF];
	_ =	sdelay $0x3  }
0x170: {  	vm1 =	vne.s32 v3, v4  }
0x171: {  	vm2 =	vne.s32 v3, v5;
	vm1 =	vmor vm1, vm0  }
0x172: {  	vm3 =	vmor vm1, vm2;
	v63, _, _ =	vpop (xrf2)  }
0x173: {  	v2 =	vsub.f32 v63, v2  }
.Ltmp7:
0x174: {  	_ = 	snop;
	(pc) =	sbr.rel @p0 .LBB2_14-.Ltmp7, $3  }
0x175: {  	v4 =	vnsel vm1, $0x0, v63;
	v2 =	vnsel vm2, $0x0, v2  }
0x176: {  	v2 =	vsub.f32 v4, v2;
	_ =	sdelay $0x1  }
0x177: {  	[tilespmem:v3+s31+$0x0] =	vst.idx.add.f32.msk vm3, v2  }
0x178: {  	s6 =	sadd.s32 s23, s18  }
0x179: {  	s6 =	sshrl.u32 s6, $0x3  }
0x17a: {  	s7 =	sadd.s32 s0, s6  }
0x17b: {  	[tilespmem:s26], [sflag:$0x1] =	stream.linear.gather [hbm4b:s7+s5], $0x7D0, $0x38;
	[tilespmem:$0x1E800] =	vst v63  }
.Ltmp8:
0x17c: {  	_ = 	snop;
	(pc) =	sbr.rel .LBB2_4-.Ltmp8, $4  }
0x17d: {  	s23 =	sadd.s32 s2, s6  }
0x17e: {  	[tilespmem:s28], [sflag:$0x1] =	stream.linear.gather [hbm4b:s23+s5], $0x7D0, $0x38;
	[tilespmem:$0x1E800] =	vst v63  }
0x17f: {  	s22 =	sadd.s32 $0x1, s22;
	s6 =	sadd.s32 s4, s6  }
0x180: {  	[tilespmem:s29], [sflag:$0x1] =	stream.linear.gather [hbm4b:s6+s5], $0x7D0, $0x38;
	[tilespmem:$0x1E800] =	vst v63  }
.LBB2_15:
0x181: {  	_ =	sfence.sel $0x180000  }
0x182: {  	[bflag:$0x0] =	sbarrier.arrive $0xFFFF  }
0x183: {  	_ =	strace $0x90000047  }
0x184: {  	s0 =	stileid.u32;
	[bflag:$0x2] =	sbarrier.arrive $0xFFFF  }
0x185: {  	p0 =	sne.s32 s0, $0x0;
	s0 =	rddreg [dreg:$0x4]  }
0x186: {  	s0 =	sadd.s32 @!p0 $0x100000, s0  }
0x187: {  	[sflag:s0] =	ssyncadd.tile.s32 @!p0 $0x1;
	_ =	shalt  }
.Lfunc_end2:
_tile_overlayer_lowered:
.L_overlay_start_2:
0x188: {  	(tag) =	ssettag $0x2  }
0x189: {  	s0 =	rddreg [dreg:$0x0];
	s2 =	stileid.u32  }
0x18a: {  	s1 =	rddreg [dreg:$0x1];
	p0 =	sne.s32 s2, $0x0  }
0x18b: {  	s3 =	rddreg [dreg:$0x2];
	[bflag:$0x3] =	sbarrier.arrive $0xFFFF;
	s2 =	simm.s32 @!p0 $0x1C02  }
0x18c: {  	[timem:s3], [sflag:s2] =	dma.local @!p0 [hbm:s0], s1  }
0x18d: {  	s0 =	simm.s32 @!p0 $0x2  }
0x18e: {  	_ =	swait.ge @!p0 [sflag:s0], s1  }
0x18f: {  	s1 =	ssub.s32 @!p0 $0x0, s1;
	[sflag:s0] =	ssyncset.done @!p0 $0x0  }
0x190: {  	[sflag:s0] =	ssyncadd.s32 @!p0 s1  }
0x191: {  	[bflag:$0x3] =	sbarrier.arrive $0xFFFF  }
0x192: {  	_ =	shalt  }

</sc_bundles>
